<compile_context>
chip_gen: v7x
topology: tpu7x:2x2x1
jax: 0.10.2.dev20260603
libtpu: 0.0.44.dev20260713+nightly
codegen_flags: <defaults>
</compile_context>

<pallas_src>
import functools

import jax
import jax.numpy as jnp
from jax import lax
from jax.experimental import pallas as pl
from jax.experimental.pallas import tpu as pltpu
from jax.experimental.pallas import tpu_sc as plsc

_DIM = 300
_DIMP = 384
_SP = 56
_NW = 32
_CH = 128


def _gather(table_hbm, tail_hbm, idx_v, buf, sem, j):
    ii = idx_v.at[pl.ds(j * _CH, _CH)]
    pltpu.async_copy(
        table_hbm.at[ii, pl.ds(0, 256)], buf.at[:, pl.ds(0, 256)], sem
    )
    pltpu.async_copy(tail_hbm.at[ii], buf.at[:, pl.ds(256, 128)], sem)


def _wait_gather(table_hbm, tail_hbm, idx_v, buf, sem, j):
    ii = idx_v.at[pl.ds(j * _CH, _CH)]
    pltpu.make_async_copy(
        table_hbm.at[ii, pl.ds(0, 256)], buf.at[:, pl.ds(0, 256)], sem
    ).wait()
    pltpu.make_async_copy(
        tail_hbm.at[ii], buf.at[:, pl.ds(256, 128)], sem
    ).wait()


def _body(idx_hbm, table_hbm, tail_hbm, out_hbm, idx_v, buf0, buf1, sem0, sem1):
    per_w = idx_hbm.shape[0] // _NW
    nch = per_w // _CH
    c = lax.axis_index("c")
    s = lax.axis_index("s")
    wid = s * 2 + c
    base = wid * per_w

    pltpu.sync_copy(idx_hbm.at[pl.ds(base, per_w)], idx_v)

    bufs = (buf0, buf1)
    sems = (sem0, sem1)

    _gather(table_hbm, tail_hbm, idx_v, buf0, sem0, 0)
    _gather(table_hbm, tail_hbm, idx_v, buf1, sem1, 1)

    @pl.loop(0, nch - 2, step=2)
    def _(jj):
        for b in range(2):
            j = jj + b
            _wait_gather(table_hbm, tail_hbm, idx_v, bufs[b], sems[b], j)
            pltpu.sync_copy(
                bufs[b], out_hbm.at[pl.ds(base + j * _CH, _CH), :]
            )
            _gather(table_hbm, tail_hbm, idx_v, bufs[b], sems[b], j + 2)

    for b in range(2):
        j = nch - 2 + b
        _wait_gather(table_hbm, tail_hbm, idx_v, bufs[b], sems[b], j)
        pltpu.sync_copy(bufs[b], out_hbm.at[pl.ds(base + j * _CH, _CH), :])


@jax.jit
def _lookup(idx, table, tail):
    total = idx.shape[0]
    per_w = total // _NW
    mesh = plsc.VectorSubcoreMesh(core_axis_name="c", subcore_axis_name="s")
    f = pl.kernel(
        _body,
        out_type=jax.ShapeDtypeStruct((total, _DIMP), jnp.float32),
        mesh=mesh,
        scratch_types=[
            pltpu.VMEM((per_w,), jnp.int32),
            pltpu.VMEM((_CH, _DIMP), jnp.float32),
            pltpu.VMEM((_CH, _DIMP), jnp.float32),
            pltpu.SemaphoreType.DMA,
            pltpu.SemaphoreType.DMA,
        ],
    )
    return f(idx, table, tail)


def kernel(inp, table):
    b, s = inp.shape
    tail = jnp.pad(
        lax.slice(table, (0, 256), (table.shape[0], _DIM)),
        ((0, 0), (0, 128 - (_DIM - 256))),
    )
    npad = _SP - s
    pads = (jnp.arange(b * npad, dtype=jnp.int32) * 521) % table.shape[0]
    idx = jnp.concatenate(
        [inp, pads.reshape(b, npad)], axis=1
    ).reshape(b * _SP)
    y = _lookup(idx, table, tail)
    return y.reshape(b, _SP, _DIMP)[:, :s, :_DIM]

# --- scband reference (transcript-rebuilt; emitter-appended) ---
"""Pipeline reference for scband-word-embedding-39676907880540 (READ-ONLY COPY).

The authoritative reference and input builder live on the scoring server;
editing this copy changes nothing except your own understanding.
"""

import jax, jax.numpy as jnp
import numpy as np

VOCAB = 100000
DIM = 300
PAD = VOCAB  # padding_idx = vocabulary_size


def setup_inputs(seed: int = 0) -> dict:
    key = jax.random.key(seed)
    k1, k2 = jax.random.split(key)
    # token indices in [0, VOCAB); padding row PAD exists but is not sampled here
    inp = jax.random.randint(k1, (4096, 50), 0, VOCAB, dtype=jnp.int32)
    # embedding table (vocab+1 rows, last row is padding, initialized to zero
    # just like nn.Embedding with padding_idx)
    table = jax.random.normal(k2, (VOCAB + 1, DIM), dtype=jnp.float32) * 0.02
    table = table.at[PAD].set(0.0)
    return {"inp": inp, "table": table}


def reference(inp, table):
    # nn.Embedding lookup; dropout with p=0.0 is the identity (and eval mode)
    out = jnp.take(table, inp, axis=0)
    return out

if __name__ == "__main__":
    import jax
    _d = setup_inputs()
    print(jax.jit(kernel)(*tuple(_d.values())))

</pallas_src>

<mosaic_0001>
#map = affine_map<(d0, d1) -> (0)>
#map1 = affine_map<(d0, d1) -> (0, 0)>
module attributes {stable_mosaic.version = 14 : i64} {
  func.func @_body(%arg0: i32, %arg1: i32, %arg2: memref<229376xi32, #tpu.memory_space<hbm>>, %arg3: memref<100001x300xf32, #tpu.memory_space<hbm>>, %arg4: memref<100001x128xf32, #tpu.memory_space<hbm>>, %arg5: memref<229376x384xf32, #tpu.memory_space<hbm>>, %arg6: memref<7168xi32, #tpu.memory_space<vmem>>, %arg7: memref<128x384xf32, #tpu.memory_space<vmem>>, %arg8: memref<128x384xf32, #tpu.memory_space<vmem>>, %arg9: memref<!tpu.dma_semaphore, #tpu.memory_space<semaphore_mem>>, %arg10: memref<!tpu.dma_semaphore, #tpu.memory_space<semaphore_mem>>) attributes {dimension_semantics = [#tpu.dimension_semantics<core_parallel>, #tpu.dimension_semantics<subcore_parallel>], iteration_bounds = array<i64: 2, 16>, scalar_prefetch = 0 : i64, scratch_operands = 5 : i64, tpu.core_type = #tpu.core_type<sc_vector_subcore>, window_params = [{transform_indices = #map}, {transform_indices = #map1}, {transform_indices = #map1}, {transform_indices = #map1}]} {
    %mul3A = arith.constant 2 : i32
    %mul3A_0 = arith.muli %arg1, %mul3A : i32
    %add3A = arith.addi %mul3A_0, %arg0 : i32
    %mul3A_1 = arith.constant 7168 : i32
    %mul3A_2 = arith.muli %add3A, %mul3A_1 : i32
    "tpu.region"() ({
      %run_scoped3A = tpu.sem_alloc : memref<!tpu.dma_semaphore, #tpu.memory_space<semaphore_mem>>
      %dma_start3A_73 = tpu.memref_slice %arg2[%mul3A_2] : memref<229376xi32, #tpu.memory_space<hbm>> -> memref<7168xi32, #tpu.memory_space<hbm>>
      %dma_start3A_74 = tpu.memref_slice %arg2[%mul3A_2] : memref<229376xi32, #tpu.memory_space<hbm>> -> memref<7168xi32, #tpu.memory_space<hbm>>
      tpu.enqueue_dma source(%dma_start3A_74 : memref<7168xi32, #tpu.memory_space<hbm>>) target(%arg6 : memref<7168xi32, #tpu.memory_space<vmem>>) target_semaphore(%run_scoped3A : memref<!tpu.dma_semaphore, #tpu.memory_space<semaphore_mem>>)
      %dma_wait3A_75 = tpu.memref_slice %arg2[%mul3A_2] : memref<229376xi32, #tpu.memory_space<hbm>> -> memref<7168xi32, #tpu.memory_space<hbm>>
      %dma_wait3A_76 = tpu.memref_slice %arg2[%mul3A_2] : memref<229376xi32, #tpu.memory_space<hbm>> -> memref<7168xi32, #tpu.memory_space<hbm>>
      tpu.wait_dma2 semaphore(%run_scoped3A : memref<!tpu.dma_semaphore, #tpu.memory_space<semaphore_mem>>) src(%dma_wait3A_76 : memref<7168xi32, #tpu.memory_space<hbm>>) dst(%arg6 : memref<7168xi32, #tpu.memory_space<vmem>>)
      tpu.yield
    }) : () -> ()
    %dma_start3A = arith.constant 0 : i32
    %dma_start3A_3 = arith.constant 0 : i32
    %dma_start3A_4 = tpu.memref_slice %arg7[%dma_start3A, %dma_start3A_3] : memref<128x384xf32, #tpu.memory_space<vmem>> -> memref<128x256xf32, #tpu.memory_space<vmem>>
    %dma_start3A_5 = arith.constant 0 : i32
    %dma_start3A_6 = tpu.memref_slice %arg6[%dma_start3A_5] : memref<7168xi32, #tpu.memory_space<vmem>> -> memref<128xi32, #tpu.memory_space<vmem>>
    %dma_start3A_7 = arith.constant 0 : i32
    %dma_start3A_8 = arith.constant 0 : i32
    %dma_start3A_9 = tpu.memref_slice %arg3[%dma_start3A_7, %dma_start3A_8] : memref<100001x300xf32, #tpu.memory_space<hbm>> -> memref<100001x256xf32, #tpu.memory_space<hbm>>
    tpu.enqueue_indirect_dma source(%dma_start3A_9 : memref<100001x256xf32, #tpu.memory_space<hbm>>) target(%dma_start3A_4 : memref<128x256xf32, #tpu.memory_space<vmem>>) offsets(%dma_start3A_6 : memref<128xi32, #tpu.memory_space<vmem>>) semaphore(%arg9 : memref<!tpu.dma_semaphore, #tpu.memory_space<semaphore_mem>>)
    %dma_start3A_10 = arith.constant 0 : i32
    %dma_start3A_11 = arith.constant 256 : i32
    %dma_start3A_12 = tpu.memref_slice %arg7[%dma_start3A_10, %dma_start3A_11] : memref<128x384xf32, #tpu.memory_space<vmem>> -> memref<128x128xf32, #tpu.memory_space<vmem>>
    %dma_start3A_13 = arith.constant 0 : i32
    %dma_start3A_14 = tpu.memref_slice %arg6[%dma_start3A_13] : memref<7168xi32, #tpu.memory_space<vmem>> -> memref<128xi32, #tpu.memory_space<vmem>>
    %dma_start3A_15 = arith.constant 0 : i32
    %dma_start3A_16 = arith.constant 0 : i32
    %dma_start3A_17 = tpu.memref_slice %arg4[%dma_start3A_15, %dma_start3A_16] : memref<100001x128xf32, #tpu.memory_space<hbm>> -> memref<100001x128xf32, #tpu.memory_space<hbm>>
    tpu.enqueue_indirect_dma source(%dma_start3A_17 : memref<100001x128xf32, #tpu.memory_space<hbm>>) target(%dma_start3A_12 : memref<128x128xf32, #tpu.memory_space<vmem>>) offsets(%dma_start3A_14 : memref<128xi32, #tpu.memory_space<vmem>>) semaphore(%arg9 : memref<!tpu.dma_semaphore, #tpu.memory_space<semaphore_mem>>)
    %dma_start3A_18 = arith.constant 0 : i32
    %dma_start3A_19 = arith.constant 0 : i32
    %dma_start3A_20 = tpu.memref_slice %arg8[%dma_start3A_18, %dma_start3A_19] : memref<128x384xf32, #tpu.memory_space<vmem>> -> memref<128x256xf32, #tpu.memory_space<vmem>>
    %dma_start3A_21 = arith.constant 128 : i32
    %dma_start3A_22 = tpu.memref_slice %arg6[%dma_start3A_21] : memref<7168xi32, #tpu.memory_space<vmem>> -> memref<128xi32, #tpu.memory_space<vmem>>
    %dma_start3A_23 = arith.constant 0 : i32
    %dma_start3A_24 = arith.constant 0 : i32
    %dma_start3A_25 = tpu.memref_slice %arg3[%dma_start3A_23, %dma_start3A_24] : memref<100001x300xf32, #tpu.memory_space<hbm>> -> memref<100001x256xf32, #tpu.memory_space<hbm>>
    tpu.enqueue_indirect_dma source(%dma_start3A_25 : memref<100001x256xf32, #tpu.memory_space<hbm>>) target(%dma_start3A_20 : memref<128x256xf32, #tpu.memory_space<vmem>>) offsets(%dma_start3A_22 : memref<128xi32, #tpu.memory_space<vmem>>) semaphore(%arg10 : memref<!tpu.dma_semaphore, #tpu.memory_space<semaphore_mem>>)
    %dma_start3A_26 = arith.constant 0 : i32
    %dma_start3A_27 = arith.constant 256 : i32
    %dma_start3A_28 = tpu.memref_slice %arg8[%dma_start3A_26, %dma_start3A_27] : memref<128x384xf32, #tpu.memory_space<vmem>> -> memref<128x128xf32, #tpu.memory_space<vmem>>
    %dma_start3A_29 = arith.constant 128 : i32
    %dma_start3A_30 = tpu.memref_slice %arg6[%dma_start3A_29] : memref<7168xi32, #tpu.memory_space<vmem>> -> memref<128xi32, #tpu.memory_space<vmem>>
    %dma_start3A_31 = arith.constant 0 : i32
    %dma_start3A_32 = arith.constant 0 : i32
    %dma_start3A_33 = tpu.memref_slice %arg4[%dma_start3A_31, %dma_start3A_32] : memref<100001x128xf32, #tpu.memory_space<hbm>> -> memref<100001x128xf32, #tpu.memory_space<hbm>>
    tpu.enqueue_indirect_dma source(%dma_start3A_33 : memref<100001x128xf32, #tpu.memory_space<hbm>>) target(%dma_start3A_28 : memref<128x128xf32, #tpu.memory_space<vmem>>) offsets(%dma_start3A_30 : memref<128xi32, #tpu.memory_space<vmem>>) semaphore(%arg10 : memref<!tpu.dma_semaphore, #tpu.memory_space<semaphore_mem>>)
    %scan3A = arith.constant 0 : i32
    %scan3A_34 = arith.constant 27 : i32
    %scan3A_35 = arith.addi %scan3A, %scan3A_34 : i32
    %scan3A_36 = arith.constant 1 : i32
    scf.for %scan3A_73 = %scan3A to %scan3A_35 step %scan3A_36  : i32 {
      %mul3A_74 = arith.constant 2 : i32
      %mul3A_75 = arith.muli %scan3A_73, %mul3A_74 : i32
      %add3A_76 = arith.constant 0 : i32
      %add3A_77 = arith.addi %add3A_76, %mul3A_75 : i32
      %add3A_78 = arith.constant 0 : i32
      %add3A_79 = arith.addi %add3A_77, %add3A_78 : i32
      %mul3A_80 = arith.constant 128 : i32
      %mul3A_81 = arith.muli %add3A_79, %mul3A_80 : i32
      %dma_wait3A_82 = arith.constant 0 : i32
      %dma_wait3A_83 = arith.constant 0 : i32
      %dma_wait3A_84 = tpu.memref_slice %arg7[%dma_wait3A_82, %dma_wait3A_83] : memref<128x384xf32, #tpu.memory_space<vmem>> -> memref<128x256xf32, #tpu.memory_space<vmem>>
      %dma_wait3A_85 = tpu.memref_slice %arg6[%mul3A_81] : memref<7168xi32, #tpu.memory_space<vmem>> -> memref<128xi32, #tpu.memory_space<vmem>>
      %dma_wait3A_86 = arith.constant 0 : i32
      %dma_wait3A_87 = arith.constant 0 : i32
      %dma_wait3A_88 = tpu.memref_slice %arg3[%dma_wait3A_86, %dma_wait3A_87] : memref<100001x300xf32, #tpu.memory_space<hbm>> -> memref<100001x256xf32, #tpu.memory_space<hbm>>
      tpu.wait_indirect_dma semaphore(%arg9 : memref<!tpu.dma_semaphore, #tpu.memory_space<semaphore_mem>>) src(%dma_wait3A_88 : memref<100001x256xf32, #tpu.memory_space<hbm>>) dst(%dma_wait3A_84 : memref<128x256xf32, #tpu.memory_space<vmem>>)
      %dma_wait3A_89 = arith.constant 0 : i32
      %dma_wait3A_90 = arith.constant 256 : i32
      %dma_wait3A_91 = tpu.memref_slice %arg7[%dma_wait3A_89, %dma_wait3A_90] : memref<128x384xf32, #tpu.memory_space<vmem>> -> memref<128x128xf32, #tpu.memory_space<vmem>>
      %dma_wait3A_92 = tpu.memref_slice %arg6[%mul3A_81] : memref<7168xi32, #tpu.memory_space<vmem>> -> memref<128xi32, #tpu.memory_space<vmem>>
      %dma_wait3A_93 = arith.constant 0 : i32
      %dma_wait3A_94 = arith.constant 0 : i32
      %dma_wait3A_95 = tpu.memref_slice %arg4[%dma_wait3A_93, %dma_wait3A_94] : memref<100001x128xf32, #tpu.memory_space<hbm>> -> memref<100001x128xf32, #tpu.memory_space<hbm>>
      tpu.wait_indirect_dma semaphore(%arg9 : memref<!tpu.dma_semaphore, #tpu.memory_space<semaphore_mem>>) src(%dma_wait3A_95 : memref<100001x128xf32, #tpu.memory_space<hbm>>) dst(%dma_wait3A_91 : memref<128x128xf32, #tpu.memory_space<vmem>>)
      %mul3A_96 = arith.constant 128 : i32
      %mul3A_97 = arith.muli %add3A_79, %mul3A_96 : i32
      %add3A_98 = arith.addi %mul3A_2, %mul3A_97 : i32
      "tpu.region"() ({
        %run_scoped3A = tpu.sem_alloc : memref<!tpu.dma_semaphore, #tpu.memory_space<semaphore_mem>>
        %dma_start3A_156 = arith.constant 0 : i32
        %dma_start3A_157 = tpu.memref_slice %arg5[%add3A_98, %dma_start3A_156] : memref<229376x384xf32, #tpu.memory_space<hbm>> -> memref<128x384xf32, #tpu.memory_space<hbm>>
        %dma_start3A_158 = arith.constant 0 : i32
        %dma_start3A_159 = tpu.memref_slice %arg5[%add3A_98, %dma_start3A_158] : memref<229376x384xf32, #tpu.memory_space<hbm>> -> memref<128x384xf32, #tpu.memory_space<hbm>>
        tpu.enqueue_dma source(%arg7 : memref<128x384xf32, #tpu.memory_space<vmem>>) target(%dma_start3A_159 : memref<128x384xf32, #tpu.memory_space<hbm>>) target_semaphore(%run_scoped3A : memref<!tpu.dma_semaphore, #tpu.memory_space<semaphore_mem>>)
        %dma_wait3A_160 = arith.constant 0 : i32
        %dma_wait3A_161 = tpu.memref_slice %arg5[%add3A_98, %dma_wait3A_160] : memref<229376x384xf32, #tpu.memory_space<hbm>> -> memref<128x384xf32, #tpu.memory_space<hbm>>
        %dma_wait3A_162 = arith.constant 0 : i32
        %dma_wait3A_163 = tpu.memref_slice %arg5[%add3A_98, %dma_wait3A_162] : memref<229376x384xf32, #tpu.memory_space<hbm>> -> memref<128x384xf32, #tpu.memory_space<hbm>>
        tpu.wait_dma2 semaphore(%run_scoped3A : memref<!tpu.dma_semaphore, #tpu.memory_space<semaphore_mem>>) src(%arg7 : memref<128x384xf32, #tpu.memory_space<vmem>>) dst(%dma_wait3A_163 : memref<128x384xf32, #tpu.memory_space<hbm>>)
        tpu.yield
      }) : () -> ()
      %add3A_99 = arith.constant 2 : i32
      %add3A_100 = arith.addi %add3A_79, %add3A_99 : i32
      %mul3A_101 = arith.constant 128 : i32
      %mul3A_102 = arith.muli %add3A_100, %mul3A_101 : i32
      %dma_start3A_103 = arith.constant 0 : i32
      %dma_start3A_104 = arith.constant 0 : i32
      %dma_start3A_105 = tpu.memref_slice %arg7[%dma_start3A_103, %dma_start3A_104] : memref<128x384xf32, #tpu.memory_space<vmem>> -> memref<128x256xf32, #tpu.memory_space<vmem>>
      %dma_start3A_106 = tpu.memref_slice %arg6[%mul3A_102] : memref<7168xi32, #tpu.memory_space<vmem>> -> memref<128xi32, #tpu.memory_space<vmem>>
      %dma_start3A_107 = arith.constant 0 : i32
      %dma_start3A_108 = arith.constant 0 : i32
      %dma_start3A_109 = tpu.memref_slice %arg3[%dma_start3A_107, %dma_start3A_108] : memref<100001x300xf32, #tpu.memory_space<hbm>> -> memref<100001x256xf32, #tpu.memory_space<hbm>>
      tpu.enqueue_indirect_dma source(%dma_start3A_109 : memref<100001x256xf32, #tpu.memory_space<hbm>>) target(%dma_start3A_105 : memref<128x256xf32, #tpu.memory_space<vmem>>) offsets(%dma_start3A_106 : memref<128xi32, #tpu.memory_space<vmem>>) semaphore(%arg9 : memref<!tpu.dma_semaphore, #tpu.memory_space<semaphore_mem>>)
      %dma_start3A_110 = arith.constant 0 : i32
      %dma_start3A_111 = arith.constant 256 : i32
      %dma_start3A_112 = tpu.memref_slice %arg7[%dma_start3A_110, %dma_start3A_111] : memref<128x384xf32, #tpu.memory_space<vmem>> -> memref<128x128xf32, #tpu.memory_space<vmem>>
      %dma_start3A_113 = tpu.memref_slice %arg6[%mul3A_102] : memref<7168xi32, #tpu.memory_space<vmem>> -> memref<128xi32, #tpu.memory_space<vmem>>
      %dma_start3A_114 = arith.constant 0 : i32
      %dma_start3A_115 = arith.constant 0 : i32
      %dma_start3A_116 = tpu.memref_slice %arg4[%dma_start3A_114, %dma_start3A_115] : memref<100001x128xf32, #tpu.memory_space<hbm>> -> memref<100001x128xf32, #tpu.memory_space<hbm>>
      tpu.enqueue_indirect_dma source(%dma_start3A_116 : memref<100001x128xf32, #tpu.memory_space<hbm>>) target(%dma_start3A_112 : memref<128x128xf32, #tpu.memory_space<vmem>>) offsets(%dma_start3A_113 : memref<128xi32, #tpu.memory_space<vmem>>) semaphore(%arg9 : memref<!tpu.dma_semaphore, #tpu.memory_space<semaphore_mem>>)
      %add3A_117 = arith.constant 1 : i32
      %add3A_118 = arith.addi %add3A_77, %add3A_117 : i32
      %mul3A_119 = arith.constant 128 : i32
      %mul3A_120 = arith.muli %add3A_118, %mul3A_119 : i32
      %dma_wait3A_121 = arith.constant 0 : i32
      %dma_wait3A_122 = arith.constant 0 : i32
      %dma_wait3A_123 = tpu.memref_slice %arg8[%dma_wait3A_121, %dma_wait3A_122] : memref<128x384xf32, #tpu.memory_space<vmem>> -> memref<128x256xf32, #tpu.memory_space<vmem>>
      %dma_wait3A_124 = tpu.memref_slice %arg6[%mul3A_120] : memref<7168xi32, #tpu.memory_space<vmem>> -> memref<128xi32, #tpu.memory_space<vmem>>
      %dma_wait3A_125 = arith.constant 0 : i32
      %dma_wait3A_126 = arith.constant 0 : i32
      %dma_wait3A_127 = tpu.memref_slice %arg3[%dma_wait3A_125, %dma_wait3A_126] : memref<100001x300xf32, #tpu.memory_space<hbm>> -> memref<100001x256xf32, #tpu.memory_space<hbm>>
      tpu.wait_indirect_dma semaphore(%arg10 : memref<!tpu.dma_semaphore, #tpu.memory_space<semaphore_mem>>) src(%dma_wait3A_127 : memref<100001x256xf32, #tpu.memory_space<hbm>>) dst(%dma_wait3A_123 : memref<128x256xf32, #tpu.memory_space<vmem>>)
      %dma_wait3A_128 = arith.constant 0 : i32
      %dma_wait3A_129 = arith.constant 256 : i32
      %dma_wait3A_130 = tpu.memref_slice %arg8[%dma_wait3A_128, %dma_wait3A_129] : memref<128x384xf32, #tpu.memory_space<vmem>> -> memref<128x128xf32, #tpu.memory_space<vmem>>
      %dma_wait3A_131 = tpu.memref_slice %arg6[%mul3A_120] : memref<7168xi32, #tpu.memory_space<vmem>> -> memref<128xi32, #tpu.memory_space<vmem>>
      %dma_wait3A_132 = arith.constant 0 : i32
      %dma_wait3A_133 = arith.constant 0 : i32
      %dma_wait3A_134 = tpu.memref_slice %arg4[%dma_wait3A_132, %dma_wait3A_133] : memref<100001x128xf32, #tpu.memory_space<hbm>> -> memref<100001x128xf32, #tpu.memory_space<hbm>>
      tpu.wait_indirect_dma semaphore(%arg10 : memref<!tpu.dma_semaphore, #tpu.memory_space<semaphore_mem>>) src(%dma_wait3A_134 : memref<100001x128xf32, #tpu.memory_space<hbm>>) dst(%dma_wait3A_130 : memref<128x128xf32, #tpu.memory_space<vmem>>)
      %mul3A_135 = arith.constant 128 : i32
      %mul3A_136 = arith.muli %add3A_118, %mul3A_135 : i32
      %add3A_137 = arith.addi %mul3A_2, %mul3A_136 : i32
      "tpu.region"() ({
        %run_scoped3A = tpu.sem_alloc : memref<!tpu.dma_semaphore, #tpu.memory_space<semaphore_mem>>
        %dma_start3A_156 = arith.constant 0 : i32
        %dma_start3A_157 = tpu.memref_slice %arg5[%add3A_137, %dma_start3A_156] : memref<229376x384xf32, #tpu.memory_space<hbm>> -> memref<128x384xf32, #tpu.memory_space<hbm>>
        %dma_start3A_158 = arith.constant 0 : i32
        %dma_start3A_159 = tpu.memref_slice %arg5[%add3A_137, %dma_start3A_158] : memref<229376x384xf32, #tpu.memory_space<hbm>> -> memref<128x384xf32, #tpu.memory_space<hbm>>
        tpu.enqueue_dma source(%arg8 : memref<128x384xf32, #tpu.memory_space<vmem>>) target(%dma_start3A_159 : memref<128x384xf32, #tpu.memory_space<hbm>>) target_semaphore(%run_scoped3A : memref<!tpu.dma_semaphore, #tpu.memory_space<semaphore_mem>>)
        %dma_wait3A_160 = arith.constant 0 : i32
        %dma_wait3A_161 = tpu.memref_slice %arg5[%add3A_137, %dma_wait3A_160] : memref<229376x384xf32, #tpu.memory_space<hbm>> -> memref<128x384xf32, #tpu.memory_space<hbm>>
        %dma_wait3A_162 = arith.constant 0 : i32
        %dma_wait3A_163 = tpu.memref_slice %arg5[%add3A_137, %dma_wait3A_162] : memref<229376x384xf32, #tpu.memory_space<hbm>> -> memref<128x384xf32, #tpu.memory_space<hbm>>
        tpu.wait_dma2 semaphore(%run_scoped3A : memref<!tpu.dma_semaphore, #tpu.memory_space<semaphore_mem>>) src(%arg8 : memref<128x384xf32, #tpu.memory_space<vmem>>) dst(%dma_wait3A_163 : memref<128x384xf32, #tpu.memory_space<hbm>>)
        tpu.yield
      }) : () -> ()
      %add3A_138 = arith.constant 2 : i32
      %add3A_139 = arith.addi %add3A_118, %add3A_138 : i32
      %mul3A_140 = arith.constant 128 : i32
      %mul3A_141 = arith.muli %add3A_139, %mul3A_140 : i32
      %dma_start3A_142 = arith.constant 0 : i32
      %dma_start3A_143 = arith.constant 0 : i32
      %dma_start3A_144 = tpu.memref_slice %arg8[%dma_start3A_142, %dma_start3A_143] : memref<128x384xf32, #tpu.memory_space<vmem>> -> memref<128x256xf32, #tpu.memory_space<vmem>>
      %dma_start3A_145 = tpu.memref_slice %arg6[%mul3A_141] : memref<7168xi32, #tpu.memory_space<vmem>> -> memref<128xi32, #tpu.memory_space<vmem>>
      %dma_start3A_146 = arith.constant 0 : i32
      %dma_start3A_147 = arith.constant 0 : i32
      %dma_start3A_148 = tpu.memref_slice %arg3[%dma_start3A_146, %dma_start3A_147] : memref<100001x300xf32, #tpu.memory_space<hbm>> -> memref<100001x256xf32, #tpu.memory_space<hbm>>
      tpu.enqueue_indirect_dma source(%dma_start3A_148 : memref<100001x256xf32, #tpu.memory_space<hbm>>) target(%dma_start3A_144 : memref<128x256xf32, #tpu.memory_space<vmem>>) offsets(%dma_start3A_145 : memref<128xi32, #tpu.memory_space<vmem>>) semaphore(%arg10 : memref<!tpu.dma_semaphore, #tpu.memory_space<semaphore_mem>>)
      %dma_start3A_149 = arith.constant 0 : i32
      %dma_start3A_150 = arith.constant 256 : i32
      %dma_start3A_151 = tpu.memref_slice %arg8[%dma_start3A_149, %dma_start3A_150] : memref<128x384xf32, #tpu.memory_space<vmem>> -> memref<128x128xf32, #tpu.memory_space<vmem>>
      %dma_start3A_152 = tpu.memref_slice %arg6[%mul3A_141] : memref<7168xi32, #tpu.memory_space<vmem>> -> memref<128xi32, #tpu.memory_space<vmem>>
      %dma_start3A_153 = arith.constant 0 : i32
      %dma_start3A_154 = arith.constant 0 : i32
      %dma_start3A_155 = tpu.memref_slice %arg4[%dma_start3A_153, %dma_start3A_154] : memref<100001x128xf32, #tpu.memory_space<hbm>> -> memref<100001x128xf32, #tpu.memory_space<hbm>>
      tpu.enqueue_indirect_dma source(%dma_start3A_155 : memref<100001x128xf32, #tpu.memory_space<hbm>>) target(%dma_start3A_151 : memref<128x128xf32, #tpu.memory_space<vmem>>) offsets(%dma_start3A_152 : memref<128xi32, #tpu.memory_space<vmem>>) semaphore(%arg10 : memref<!tpu.dma_semaphore, #tpu.memory_space<semaphore_mem>>)
    }
    %scan3A_37 = arith.constant 27 : i32
    %dma_wait3A = arith.constant 0 : i32
    %dma_wait3A_38 = arith.constant 0 : i32
    %dma_wait3A_39 = tpu.memref_slice %arg7[%dma_wait3A, %dma_wait3A_38] : memref<128x384xf32, #tpu.memory_space<vmem>> -> memref<128x256xf32, #tpu.memory_space<vmem>>
    %dma_wait3A_40 = arith.constant 6912 : i32
    %dma_wait3A_41 = tpu.memref_slice %arg6[%dma_wait3A_40] : memref<7168xi32, #tpu.memory_space<vmem>> -> memref<128xi32, #tpu.memory_space<vmem>>
    %dma_wait3A_42 = arith.constant 0 : i32
    %dma_wait3A_43 = arith.constant 0 : i32
    %dma_wait3A_44 = tpu.memref_slice %arg3[%dma_wait3A_42, %dma_wait3A_43] : memref<100001x300xf32, #tpu.memory_space<hbm>> -> memref<100001x256xf32, #tpu.memory_space<hbm>>
    tpu.wait_indirect_dma semaphore(%arg9 : memref<!tpu.dma_semaphore, #tpu.memory_space<semaphore_mem>>) src(%dma_wait3A_44 : memref<100001x256xf32, #tpu.memory_space<hbm>>) dst(%dma_wait3A_39 : memref<128x256xf32, #tpu.memory_space<vmem>>)
    %dma_wait3A_45 = arith.constant 0 : i32
    %dma_wait3A_46 = arith.constant 256 : i32
    %dma_wait3A_47 = tpu.memref_slice %arg7[%dma_wait3A_45, %dma_wait3A_46] : memref<128x384xf32, #tpu.memory_space<vmem>> -> memref<128x128xf32, #tpu.memory_space<vmem>>
    %dma_wait3A_48 = arith.constant 6912 : i32
    %dma_wait3A_49 = tpu.memref_slice %arg6[%dma_wait3A_48] : memref<7168xi32, #tpu.memory_space<vmem>> -> memref<128xi32, #tpu.memory_space<vmem>>
    %dma_wait3A_50 = arith.constant 0 : i32
    %dma_wait3A_51 = arith.constant 0 : i32
    %dma_wait3A_52 = tpu.memref_slice %arg4[%dma_wait3A_50, %dma_wait3A_51] : memref<100001x128xf32, #tpu.memory_space<hbm>> -> memref<100001x128xf32, #tpu.memory_space<hbm>>
    tpu.wait_indirect_dma semaphore(%arg9 : memref<!tpu.dma_semaphore, #tpu.memory_space<semaphore_mem>>) src(%dma_wait3A_52 : memref<100001x128xf32, #tpu.memory_space<hbm>>) dst(%dma_wait3A_47 : memref<128x128xf32, #tpu.memory_space<vmem>>)
    %add3A_53 = arith.constant 6912 : i32
    %add3A_54 = arith.addi %mul3A_2, %add3A_53 : i32
    "tpu.region"() ({
      %run_scoped3A = tpu.sem_alloc : memref<!tpu.dma_semaphore, #tpu.memory_space<semaphore_mem>>
      %dma_start3A_73 = arith.constant 0 : i32
      %dma_start3A_74 = tpu.memref_slice %arg5[%add3A_54, %dma_start3A_73] : memref<229376x384xf32, #tpu.memory_space<hbm>> -> memref<128x384xf32, #tpu.memory_space<hbm>>
      %dma_start3A_75 = arith.constant 0 : i32
      %dma_start3A_76 = tpu.memref_slice %arg5[%add3A_54, %dma_start3A_75] : memref<229376x384xf32, #tpu.memory_space<hbm>> -> memref<128x384xf32, #tpu.memory_space<hbm>>
      tpu.enqueue_dma source(%arg7 : memref<128x384xf32, #tpu.memory_space<vmem>>) target(%dma_start3A_76 : memref<128x384xf32, #tpu.memory_space<hbm>>) target_semaphore(%run_scoped3A : memref<!tpu.dma_semaphore, #tpu.memory_space<semaphore_mem>>)
      %dma_wait3A_77 = arith.constant 0 : i32
      %dma_wait3A_78 = tpu.memref_slice %arg5[%add3A_54, %dma_wait3A_77] : memref<229376x384xf32, #tpu.memory_space<hbm>> -> memref<128x384xf32, #tpu.memory_space<hbm>>
      %dma_wait3A_79 = arith.constant 0 : i32
      %dma_wait3A_80 = tpu.memref_slice %arg5[%add3A_54, %dma_wait3A_79] : memref<229376x384xf32, #tpu.memory_space<hbm>> -> memref<128x384xf32, #tpu.memory_space<hbm>>
      tpu.wait_dma2 semaphore(%run_scoped3A : memref<!tpu.dma_semaphore, #tpu.memory_space<semaphore_mem>>) src(%arg7 : memref<128x384xf32, #tpu.memory_space<vmem>>) dst(%dma_wait3A_80 : memref<128x384xf32, #tpu.memory_space<hbm>>)
      tpu.yield
    }) : () -> ()
    %dma_wait3A_55 = arith.constant 0 : i32
    %dma_wait3A_56 = arith.constant 0 : i32
    %dma_wait3A_57 = tpu.memref_slice %arg8[%dma_wait3A_55, %dma_wait3A_56] : memref<128x384xf32, #tpu.memory_space<vmem>> -> memref<128x256xf32, #tpu.memory_space<vmem>>
    %dma_wait3A_58 = arith.constant 7040 : i32
    %dma_wait3A_59 = tpu.memref_slice %arg6[%dma_wait3A_58] : memref<7168xi32, #tpu.memory_space<vmem>> -> memref<128xi32, #tpu.memory_space<vmem>>
    %dma_wait3A_60 = arith.constant 0 : i32
    %dma_wait3A_61 = arith.constant 0 : i32
    %dma_wait3A_62 = tpu.memref_slice %arg3[%dma_wait3A_60, %dma_wait3A_61] : memref<100001x300xf32, #tpu.memory_space<hbm>> -> memref<100001x256xf32, #tpu.memory_space<hbm>>
    tpu.wait_indirect_dma semaphore(%arg10 : memref<!tpu.dma_semaphore, #tpu.memory_space<semaphore_mem>>) src(%dma_wait3A_62 : memref<100001x256xf32, #tpu.memory_space<hbm>>) dst(%dma_wait3A_57 : memref<128x256xf32, #tpu.memory_space<vmem>>)
    %dma_wait3A_63 = arith.constant 0 : i32
    %dma_wait3A_64 = arith.constant 256 : i32
    %dma_wait3A_65 = tpu.memref_slice %arg8[%dma_wait3A_63, %dma_wait3A_64] : memref<128x384xf32, #tpu.memory_space<vmem>> -> memref<128x128xf32, #tpu.memory_space<vmem>>
    %dma_wait3A_66 = arith.constant 7040 : i32
    %dma_wait3A_67 = tpu.memref_slice %arg6[%dma_wait3A_66] : memref<7168xi32, #tpu.memory_space<vmem>> -> memref<128xi32, #tpu.memory_space<vmem>>
    %dma_wait3A_68 = arith.constant 0 : i32
    %dma_wait3A_69 = arith.constant 0 : i32
    %dma_wait3A_70 = tpu.memref_slice %arg4[%dma_wait3A_68, %dma_wait3A_69] : memref<100001x128xf32, #tpu.memory_space<hbm>> -> memref<100001x128xf32, #tpu.memory_space<hbm>>
    tpu.wait_indirect_dma semaphore(%arg10 : memref<!tpu.dma_semaphore, #tpu.memory_space<semaphore_mem>>) src(%dma_wait3A_70 : memref<100001x128xf32, #tpu.memory_space<hbm>>) dst(%dma_wait3A_65 : memref<128x128xf32, #tpu.memory_space<vmem>>)
    %add3A_71 = arith.constant 7040 : i32
    %add3A_72 = arith.addi %mul3A_2, %add3A_71 : i32
    "tpu.region"() ({
      %run_scoped3A = tpu.sem_alloc : memref<!tpu.dma_semaphore, #tpu.memory_space<semaphore_mem>>
      %dma_start3A_73 = arith.constant 0 : i32
      %dma_start3A_74 = tpu.memref_slice %arg5[%add3A_72, %dma_start3A_73] : memref<229376x384xf32, #tpu.memory_space<hbm>> -> memref<128x384xf32, #tpu.memory_space<hbm>>
      %dma_start3A_75 = arith.constant 0 : i32
      %dma_start3A_76 = tpu.memref_slice %arg5[%add3A_72, %dma_start3A_75] : memref<229376x384xf32, #tpu.memory_space<hbm>> -> memref<128x384xf32, #tpu.memory_space<hbm>>
      tpu.enqueue_dma source(%arg8 : memref<128x384xf32, #tpu.memory_space<vmem>>) target(%dma_start3A_76 : memref<128x384xf32, #tpu.memory_space<hbm>>) target_semaphore(%run_scoped3A : memref<!tpu.dma_semaphore, #tpu.memory_space<semaphore_mem>>)
      %dma_wait3A_77 = arith.constant 0 : i32
      %dma_wait3A_78 = tpu.memref_slice %arg5[%add3A_72, %dma_wait3A_77] : memref<229376x384xf32, #tpu.memory_space<hbm>> -> memref<128x384xf32, #tpu.memory_space<hbm>>
      %dma_wait3A_79 = arith.constant 0 : i32
      %dma_wait3A_80 = tpu.memref_slice %arg5[%add3A_72, %dma_wait3A_79] : memref<229376x384xf32, #tpu.memory_space<hbm>> -> memref<128x384xf32, #tpu.memory_space<hbm>>
      tpu.wait_dma2 semaphore(%run_scoped3A : memref<!tpu.dma_semaphore, #tpu.memory_space<semaphore_mem>>) src(%arg8 : memref<128x384xf32, #tpu.memory_space<vmem>>) dst(%dma_wait3A_80 : memref<128x384xf32, #tpu.memory_space<hbm>>)
      tpu.yield
    }) : () -> ()
    return
  }
}

</mosaic_0001>

<sc_bundles>
// kernel: _lookup.3.cloned.1.call-start
scs
__scs_entry_jumppad:
0x0: {  	(pc) =	sbr.rel $0x88, $3  }
0x1: {  	(tag) =	ssettag $0x0;
	lr =	simm.s32 $0x1  }
0x2: {  	[smem:$0x3F9E] =	sst lr;
	_ =	strace $0xD0000000  }
0x3: {  	_ = 	snop  }
0x4: {  	_ = 	snop  }
0x5: {  	_ = 	snop  }
0x6: {  	_ = 	snop  }
0x7: {  	_ = 	snop  }
__scs_overlays_trampoline_lowered:
0x8: {  	[smem:$0x3FAD] =	sst s0  }
0x9: {  	[smem:$0x3FAE] =	sst s1  }
0xa: {  	[smem:$0x3FAF] =	sst s2  }
0xb: {  	[smem:$0x3FB0] =	sst s3  }
0xc: {  	[smem:$0x3FB1] =	sst s4  }
0xd: {  	[smem:$0x3FB2] =	sst s5  }
0xe: {  	[smem:$0x3FB3] =	sst s6  }
0xf: {  	[smem:$0x3FB4] =	sst s7  }
0x10: {  	[smem:$0x3FB5] =	sst s8  }
0x11: {  	[smem:$0x3FB6] =	sst s9;
	s0 =	simm.s32 @!p0 $0x0  }
0x12: {  	s1 =	sld [smem:$0x3F9C];
	s0 =	simm.s32 @p0 $0x1  }
0x13: {  	[smem:$0x3FB7] =	sst s0;
	s0 =	simm.s32 @!p1 $0x0  }
0x14: {  	s2 =	sld [smem:$0x3F9B];
	s0 =	simm.s32 @p1 $0x1  }
0x15: {  	[smem:$0x3FB8] =	sst s0;
	s0 =	simm.s32 @!p2 $0x0  }
0x16: {  	s3 =	sld [smem:$0x3FDB];
	s0 =	simm.s32 @p2 $0x1  }
0x17: {  	s4 =	simm.s32 $0x1BF5;
	[smem:$0x3FBA] =	sst s0  }
0x18: {  	s0 =	sld [smem:$0x3F9D];
	_ =	swait.ge [sflag:s4], $0x0  }
0x19: {  	s7 =	sld [smem:$0x3F9E]  }
0x1a: {  	s8 =	sadd.s32 $0xFFFFE003, lr  }
0x1b: {  	s9 =	sadd.s32 $0xFFFFFEF7, lr;
	s5 =	simm.s32 $0xFFFFFFFF;
	p2 =	slt.u32 s8, $0xFFFFF086  }
0x1c: {  	p1 =	slt.u32 s9, $0xF7A;
	s5 =	simm.s32 @!p2 $0x0  }
0x1d: {  	s5 =	simm.s32 @p1 $0x1;
	p0 =	seq.s32 s7, s2  }
0x1e: {  	s7 =	smul.u32 @!p0 $0xF7A, s2;
	p2 =	seq.s32 @!p0 s5, $0x0  }
0x1f: {  	s9 =	smul.u32 $0xF7A, s1;
	s8 =	simm.s32 @!p0 $0x1BF5;
	p2 =	por !p2, p0  }
0x20: {  	[sflag:s8] =	ssyncset.s32 @!p0 $0xFFFFF086;
	s6 =	sadd.s32 @!p0 s3, s7;
	s7 =	simm.s32 @!p0 $0x108  }
0x21: {  	s3 =	sadd.s32 s3, s9;
	s6 =	sadd.s32 @!p0 $0x88, s6;
	s7 =	simm.s32 @p2 $0x1082  }
0x22: {  	[simem:s7], [sflag:s8] =	dma.local @!p0 [hbm:s6], $0xF7A  }
0x23: {  	s9 =	sor.u32 $0xD0000000, s2;
	s6 =	simm.s32 $0x108;
	_ =	swait.ge @!p0 [sflag:s8], $0x0  }
0x24: {  	s3 =	sadd.s32 $0x88, s3;
	s6 =	simm.s32 @!p1 $0x1082;
	[sflag:s4] =	ssyncset.s32 $0xFFFFF086  }
0x25: {  	[simem:s6], [sflag:s4] =	dma.local [hbm:s3], $0xF7A  }
0x26: {  	[smem:$0x3F9E] =	sst s1;
	(tag) =	ssettag s2;
	_ =	strace s9  }
0x27: {  	s1 =	sld [smem:$0x3FAE]  }
0x28: {  	s2 =	sld [smem:$0x3FAF]  }
0x29: {  	s4 =	sld [smem:$0x3FB1]  }
0x2a: {  	p0 =	seq.s32 s5, $0x0;
	s5 =	sld [smem:$0x3FB2]  }
0x2b: {  	s6 =	sld [smem:$0x3FB3]  }
0x2c: {  	s7 =	sld [smem:$0x3FB4]  }
0x2d: {  	s3 =	simm.s32 $0x108;
	s8 =	sld [smem:$0x3FB5]  }
0x2e: {  	s3 =	simm.s32 @!p0 $0x1082;
	s9 =	sld [smem:$0x3FB6]  }
0x2f: {  	lr =	sadd.s32 s0, s3;
	s0 =	sld [smem:$0x3FAD]  }
0x30: {  	s3 =	sld [smem:$0x3FB0]  }
0x31: {  	[smem:$0x3FB9] =	sst s10  }
0x32: {  	s10 =	sld [smem:$0x3FB7];
	_ =	sdelay $0x3  }
0x33: {  	p0 =	seq.s32 s10, $0x1;
	s10 =	sld [smem:$0x3FB9];
	_ =	sdelay $0x3  }
0x34: {  	[smem:$0x3FB9] =	sst s10  }
0x35: {  	s10 =	sld [smem:$0x3FB8];
	_ =	sdelay $0x3  }
0x36: {  	p1 =	seq.s32 s10, $0x1;
	s10 =	sld [smem:$0x3FB9];
	_ =	sdelay $0x3  }
0x37: {  	[smem:$0x3FB9] =	sst s10  }
0x38: {  	s10 =	sld [smem:$0x3FBA]  }
0x39: {  	_ = 	snop;
	(pc) =	sbr.ind lr, $3  }
0x3a: {  	_ = 	snop  }
0x3b: {  	_ = 	snop  }
0x3c: {  	p2 =	seq.s32 s10, $0x1;
	s10 =	sld [smem:$0x3FB9]  }
0x3d: {  	_ =	shalt  }
0x3e: {  	_ =	shalt  }
0x3f: {  	_ =	shalt  }
0x40: {  	_ =	shalt  }
0x41: {  	_ =	shalt  }
0x42: {  	_ =	shalt  }
0x43: {  	_ =	shalt  }
0x44: {  	_ =	shalt  }
0x45: {  	_ =	shalt  }
0x46: {  	_ =	shalt  }
0x47: {  	_ =	shalt  }
0x48: {  	_ =	shalt  }
0x49: {  	_ =	shalt  }
0x4a: {  	_ =	shalt  }
0x4b: {  	_ =	shalt  }
0x4c: {  	_ =	shalt  }
0x4d: {  	_ =	shalt  }
0x4e: {  	_ =	shalt  }
0x4f: {  	_ =	shalt  }
0x50: {  	_ =	shalt  }
0x51: {  	_ =	shalt  }
0x52: {  	_ =	shalt  }
0x53: {  	_ =	shalt  }
0x54: {  	_ =	shalt  }
0x55: {  	_ =	shalt  }
0x56: {  	_ =	shalt  }
0x57: {  	_ =	shalt  }
0x58: {  	_ =	shalt  }
0x59: {  	_ =	shalt  }
0x5a: {  	_ =	shalt  }
0x5b: {  	_ =	shalt  }
0x5c: {  	_ =	shalt  }
0x5d: {  	_ =	shalt  }
0x5e: {  	_ =	shalt  }
0x5f: {  	_ =	shalt  }
0x60: {  	_ =	shalt  }
0x61: {  	_ =	shalt  }
0x62: {  	_ =	shalt  }
0x63: {  	_ =	shalt  }
0x64: {  	_ =	shalt  }
0x65: {  	_ =	shalt  }
0x66: {  	_ =	shalt  }
0x67: {  	_ =	shalt  }
0x68: {  	_ =	shalt  }
0x69: {  	_ =	shalt  }
0x6a: {  	_ =	shalt  }
0x6b: {  	_ =	shalt  }
0x6c: {  	_ =	shalt  }
0x6d: {  	_ =	shalt  }
0x6e: {  	_ =	shalt  }
0x6f: {  	_ =	shalt  }
0x70: {  	_ =	shalt  }
0x71: {  	_ =	shalt  }
0x72: {  	_ =	shalt  }
0x73: {  	_ =	shalt  }
0x74: {  	_ =	shalt  }
0x75: {  	_ =	shalt  }
0x76: {  	_ =	shalt  }
0x77: {  	_ =	shalt  }
0x78: {  	_ =	shalt  }
0x79: {  	_ =	shalt  }
0x7a: {  	_ =	shalt  }
0x7b: {  	_ =	shalt  }
0x7c: {  	_ =	shalt  }
0x7d: {  	_ =	shalt  }
0x7e: {  	_ =	shalt  }
0x7f: {  	_ =	shalt  }
0x80: {  	_ =	shalt  }
0x81: {  	_ =	shalt  }
0x82: {  	_ =	shalt  }
0x83: {  	_ =	shalt  }
0x84: {  	_ =	shalt  }
0x85: {  	_ =	shalt  }
0x86: {  	_ =	shalt  }
0x87: {  	_ =	shalt  }
.Lfunc_end0:
.L_simem_size_0:
called_computation_lowered:
.L_overlay_start_0:
0x88: {  	s2 =	sld [smem:$0x3FD9]  }
0x89: {  	s3 =	sld [smem:$0x3FFE];
	_ =	sdelay $0x1  }
0x8a: {  	s1 =	srdreg.scid  }
0x8b: {  	s0 =	sand.u32 $0x1, s1  }
0x8c: {  	s17 =	sshll.u32 s0, $0xA;
	s2 =	sadd.s32 s3, s2  }
0x8d: {  	s2 =	sadd.s32 s2, s17  }
0x8e: {  	[smem:$0x3FC5] =	sst s2  }
0x8f: {  	_ = 	snop  }
0x90: {  	s2 =	sld [smem:$0x3FC9]  }
0x91: {  	s18 =	sld [smem:$0x3FC7]  }
0x92: {  	s4 =	sld [smem:$0x3FD0];
	(tm) =	ssettm $0x1  }
0x93: {  	s5 =	sld [smem:$0x3FFB];
	_ =	sdelay $0x3  }
0x94: {  	_ =	strace s5  }
0x95: {  	s5 =	sld [smem:$0x3FFC];
	_ =	sdelay $0x3  }
0x96: {  	_ =	strace s5  }
0x97: {  	s5 =	sld [smem:$0x3FFD];
	_ =	sdelay $0x3  }
0x98: {  	_ =	strace s5  }
0x99: {  	_ =	strace $0x8FFFFFFF  }
0x9a: {  	s19 =	sld [smem:$0x3FDB];
	_ =	sdelay $0x1  }
0x9b: {  	s6 =	simm.s32 $_scs_section_size  }
0x9c: {  	s7 =	simm.s32 $_size__tile_overlayer_lowered;
	s8 =	simm.s32 $_tile_overlayer_lowered  }
0x9d: {  	s22 =	simm.s32 $0x1BFF;
	s21 =	sshll.u32 s8, $0x1;
	s5 =	sadd.s32 s6, s19  }
0x9e: {  	s9 =	simm.s32 $0x0;
	s20 =	sshll.u32 s7, $0x1;
	s7 =	sadd.s32 s21, s5  }
0x9f: {  	[timem:s9], [sflag:s22] =	dma.local [hbm:s7], s20  }
0xa0: {  	_ =	swait.ge [sflag:s22], s20  }
0xa1: {  	s6 =	ssub.s32 $0x0, s20;
	[sflag:s22] =	ssyncset.done $0x0  }
0xa2: {  	[sflag:s22] =	ssyncadd.s32 s6;
	_ =	sdelay $0x1  }
0xa3: {  	s23 =	simm.s32 $0x1B8B  }
0xa4: {  	_ =	swait.ge [sflag:s23], $0x1  }
0xa5: {  	[sflag:s23] =	ssyncset.done $0x0  }
0xa6: {  	s25 =	simm.s32 $0x1B8E;
	s24 =	sld [smem:$0x3FFE];
	[sflag:s23] =	ssyncadd.s32 $0xFFFFFFFF  }
0xa7: {  	s26 =	simm.s32 $execute0_lowered;
	[smem:$0x3FD2] =	sst s25  }
0xa8: {  	s7 =	sshll.u32 s26, $0x1;
	_ =	strace $0x80000046;
	[dreg:$0x1] =	wrdreg $0xFFFFFFFF  }
0xa9: {  	s28 =	simm.s32 $_size_execute0_lowered;
	s5 =	sadd.s32 s5, s7;
	[dreg:$0x0] =	wrdreg $0x0  }
0xaa: {  	s7 =	sshll.u32 s28, $0x1;
	[dreg:$0x2] =	wrdreg s5  }
0xab: {  	[dreg:$0x3] =	wrdreg s7  }
0xac: {  	[dreg:$0x4] =	wrdreg $0xC0  }
0xad: {  	_ =	task [dreg:s9], $0x5FFFF  }
0xae: {  	[dreg:$0x1] =	wrdreg $0xFFFFFFFF  }
0xaf: {  	[dreg:$0x0] =	wrdreg $0x60  }
0xb0: {  	[dreg:$0x2] =	wrdreg s2  }
0xb1: {  	[dreg:$0x3] =	wrdreg s24  }
0xb2: {  	[dreg:$0x4] =	wrdreg s18  }
0xb3: {  	[dreg:$0x5] =	wrdreg s4  }
0xb4: {  	[dreg:$0x6] =	wrdreg $0x9  }
0xb5: {  	_ =	task.clear_ibuf [dreg:s9], $0x7FFFF;
	_ =	strace $0x90000046  }
0xb6: {  	s29 =	simm.s32 $0x9;
	_ =	strace $0x80000048  }
0xb7: {  	_ =	swait.ge [sflag:s29], $0x1  }
0xb8: {  	[sflag:s29] =	ssyncadd.s32 $0xFFFFFFFF  }
0xb9: {  	_ =	strace $0x90000048  }
0xba: {  	_ =	sfence  }
0xbb: {  	s30 =	sld [smem:$0x0];
	_ =	sdelay $0x2  }
0xbc: {  	s31 =	sshll.u32 s1, $0xD;
	s1 =	sshrl.u32 s1, $0x2  }
0xbd: {  	s3 =	sand.u32 $0x4000, s31;
	s1 =	sadd.s32 s1, s30  }
0xbe: {  	s0 =	sor.u32 s3, s0;
	s1 =	sshll.u32 s1, $0x11  }
0xbf: {  	s0 =	sor.u32 s1, s0  }
0xc0: {  	s0 =	sadd.s32 $0x8F2B, s0  }
0xc1: {  	[sflag:s0] =	ssyncadd.remote.s32 $0x1  }
0xc2: {  	_ =	sfence.sel $0xFFFF  }
0xc3: {  	[dreg:$0x0] =	wrdreg $0xFFFFFFFF;
	(pc) =	sbr.abs _section_cstart, $3  }
0xc4: {  	[dreg:$0x1] =	wrdreg $0xFFFFFFFF  }
0xc5: {  	_ =	task.clear_ibuf [dreg:s9], $0x2FFFF;
	_ =	strace $0x9FFFFFFF  }
0xc6: {  	(tm) =	ssettm $0x7FFFFFFF  }
0xc7: {  	_ =	shalt  }
tec
execute0_lowered:
.L_overlay_start_1:
0x0: {  	(tag) =	ssettag $0x1  }
0x1: {  	s0 =	rddreg [dreg:$0x0]  }
0x2: {  	s4 =	rddreg [dreg:$0x1]  }
0x3: {  	s1 =	srdreg.scid;
	s2 =	rddreg [dreg:$0x2]  }
0x4: {  	s7 =	stileid.u32;
	s5 =	rddreg [dreg:$0x3]  }
0x5: {  	s16 =	simm.s32 $0x1C00;
	s30 =	simm.s32 $0x3400;
	s29 =	simm.s32 $0x4000  }
0x6: {  	s11 =	simm.s32 $0x9400;
	s12 =	simm.s32 $0xA000;
	s13 =	simm.s32 $0xAC00  }
0x7: {  	s14 =	simm.s32 $0xB800;
	s15 =	simm.s32 $0xC400;
	s17 =	simm.s32 $0xD000  }
0x8: {  	s18 =	simm.s32 $0x2400;
	s19 =	simm.s32 $0x3000;
	s31 =	simm.s32 $0x6C00  }
0x9: {  	s1 =	sand.u32 $0x1, s1;
	s3 =	sshll.u32 s7, $0x1;
	s7 =	smul.u32 $0x3800, s7  }
0xa: {  	s28 =	simm.s32 $0xDC00;
	s3 =	sor.u32 s1, s3;
	s8 =	smul.u32 $0x1C00, s1  }
0xb: {  	s1 =	ssub.s32 $0x2, s1;
	s6 =	smul.u32 $0x1C00, s3;
	s3 =	simm.s32 $0x0  }
0xc: {  	s4 =	sadd.s32 $0x400, s4;
	s9 =	sshrl.u32 s1, $0x1;
	[smem:$0x7FF] =	sst s3  }
0xd: {  	s7 =	sadd.s32 s8, s7;
	s1 =	ssub.s32 s1, s9;
	s9 =	simm.s32 $0x3  }
0xe: {  	s8 =	simm.s32 $0x8800;
	_ =	strace $0x80000047;
	s6 =	sshrl.u32 s6, $0x3  }
0xf: {  	s10 =	sshrl.u32 s7, $0x3;
	s7 =	sor.u32 $0x80, s7;
	s20 =	smul.u32 $0x180, s6  }
0x10: {  	s1 =	smax.u32 s1, $0x1;
	s21 =	smul.u32 $0x180, s10;
	s7 =	sshrl.u32 s7, $0x3  }
0x11: {  	s0 =	sadd.s32 s0, s6;
	[dreg:$0xa] =	wrdreg s1;
	s1 =	simm.s32 $0x4C00  }
0x12: {  	s6 =	simm.s32 $0x7000;
	s10 =	simm.s32 $0x6000;
	[dreg:$0x7] =	wrdreg s0  }
0x13: {  	s23 =	smul.u32 $0x180, s7;
	s7 =	simm.s32 $0x7C00;
	s22 =	sadd.s32 s5, s20  }
0x14: {  	s25 =	sadd.s32 s21, s5;
	s20 =	simm.s32 $0x3C00;
	s21 =	simm.s32 $0x4800  }
0x15: {  	s24 =	sadd.s32 $0x51000, s22;
	s0 =	sadd.s32 $0x52800, s22;
	[dreg:$0x5] =	wrdreg s25  }
0x16: {  	s26 =	sadd.s32 s23, s5;
	s5 =	simm.s32 $0x6400;
	[dreg:$0x8] =	wrdreg s24  }
0x17: {  	v2 =	vlaneseq.u32;
	s22 =	simm.s32 $0x5400;
	s23 =	simm.s32 $0x1;
	[dreg:$0x9] =	wrdreg s0  }
0x18: {  	vm0 =	vmmov $0xffff;
	vm1 =	vmmov $0xff;
	v1 =	vshrl.u32 v2, $0x3;
	s25 =	simm.s32 $0x0;
	[dreg:$0x6] =	wrdreg s26;
	s26 =	simm.s32 $0x2800  }
0x19: {  	v0 =	vand.u32 $0x7, v2;
	v2 =	vor.u32 $0x8, v2;
	v1 =	vmul.u32 $0x8, v1;
	s0 =	simm.s32 $0x5800;
	s24 =	simm.s32 $0x2;
	[dreg:$0xb] =	wrdreg s25  }
.LBB2_1:
0x1a: {  	s25 =	rddreg [dreg:$0x7]  }
0x1b: {  	[tilespmem:s3], [sflag:$0x3] =	stream.linear.gather [hbm4b:s25+s3], $0x1C00, $0x38;
	[tilespmem:$0x19C00] =	vst v63  }
0x1c: {  	_ =	swait.ge [sflag:s9], $0x1C00  }
0x1d: {  	[sflag:s9] =	ssyncset.done $0x0  }
0x1e: {  	[sflag:s9] =	ssyncadd.s32 $0xFFFFE400  }
0x1f: {  	v3 =	vld [tilespmem:$0x0];
	_ =	sdelay $0x4  }
0x20: {  	v4 =	vshrl.u32 v3, $0x3  }
0x21: {  	v4 =	vmul.u32 $0x18, v4  }
0x22: {  	v3 =	vand.u32 $0x7, v3  }
0x23: {  	v3 =	vor.u32 v3, v4  }
0x24: {  	v4 =	vperm.xlane v3, v0;
	_ =	sdelay $0x1  }
0x25: {  	v3 =	vperm.xlane v3, v2;
	v4 =	vadd.s32 v1, v4;
	_ =	sdelay $0x1  }
0x26: {  	v3 =	vadd.s32 v1, v3;
	_ =	sdelay $0x2  }
0x27: {  	[tilespmem:s16], [sflag:$0x1] =	stream.indirect_vreg.gather [hbm4b:s4+s3], $0x80, v4, vm0, $0xb8;
	[tilespmem:$0x19C00] =	vst v63  }
0x28: {  	_ = 	snop  }
0x29: {  	[tilespmem:s26], [sflag:$0x1] =	stream.indirect_vreg.gather [hbm4b:s4+s3], $0x80, v3, vm0, $0xb8;
	[tilespmem:$0x19C00] =	vst v63  }
0x2a: {  	v3 =	vld [tilespmem:$0x10];
	_ =	sdelay $0x4  }
0x2b: {  	v33 =	vshrl.u32 v3, $0x3  }
0x2c: {  	v4 =	vmul.u32 $0x18, v33  }
0x2d: {  	v3 =	vand.u32 $0x7, v3  }
0x2e: {  	v3 =	vor.u32 v3, v4  }
0x2f: {  	v4 =	vperm.xlane v3, v0;
	_ =	sdelay $0x1  }
0x30: {  	v3 =	vperm.xlane v3, v2;
	v4 =	vadd.s32 v1, v4;
	_ =	sdelay $0x1  }
0x31: {  	v3 =	vadd.s32 v1, v3;
	_ =	sdelay $0x2  }
0x32: {  	[tilespmem:s30], [sflag:$0x1] =	stream.indirect_vreg.gather [hbm4b:s4+s3], $0x80, v4, vm0, $0xb8;
	[tilespmem:$0x19C00] =	vst v63  }
0x33: {  	_ = 	snop  }
0x34: {  	[tilespmem:s29], [sflag:$0x1] =	stream.indirect_vreg.gather [hbm4b:s4+s3], $0x80, v3, vm0, $0xb8;
	[tilespmem:$0x19C00] =	vst v63  }
0x35: {  	v3 =	vld [tilespmem:$0x20];
	_ =	sdelay $0x4  }
0x36: {  	v34 =	vshrl.u32 v3, $0x3  }
0x37: {  	v4 =	vmul.u32 $0x18, v34  }
0x38: {  	v3 =	vand.u32 $0x7, v3  }
0x39: {  	v3 =	vor.u32 v3, v4  }
0x3a: {  	v4 =	vperm.xlane v3, v0;
	_ =	sdelay $0x1  }
0x3b: {  	v3 =	vperm.xlane v3, v2;
	v4 =	vadd.s32 v1, v4;
	_ =	sdelay $0x1  }
0x3c: {  	v3 =	vadd.s32 v1, v3;
	_ =	sdelay $0x2  }
0x3d: {  	[tilespmem:s1], [sflag:$0x1] =	stream.indirect_vreg.gather [hbm4b:s4+s3], $0x80, v4, vm0, $0xb8;
	[tilespmem:$0x19C00] =	vst v63  }
0x3e: {  	_ = 	snop  }
0x3f: {  	[tilespmem:s0], [sflag:$0x1] =	stream.indirect_vreg.gather [hbm4b:s4+s3], $0x80, v3, vm0, $0xb8;
	[tilespmem:$0x19C00] =	vst v63  }
0x40: {  	v3 =	vld [tilespmem:$0x30];
	_ =	sdelay $0x4  }
0x41: {  	v35 =	vshrl.u32 v3, $0x3  }
0x42: {  	v4 =	vmul.u32 $0x18, v35  }
0x43: {  	v3 =	vand.u32 $0x7, v3  }
0x44: {  	v3 =	vor.u32 v3, v4  }
0x45: {  	v4 =	vperm.xlane v3, v0;
	_ =	sdelay $0x1  }
0x46: {  	v3 =	vperm.xlane v3, v2;
	v4 =	vadd.s32 v1, v4;
	_ =	sdelay $0x1  }
0x47: {  	v3 =	vadd.s32 v1, v3;
	_ =	sdelay $0x2  }
0x48: {  	[tilespmem:s5], [sflag:$0x1] =	stream.indirect_vreg.gather [hbm4b:s4+s3], $0x80, v4, vm0, $0xb8;
	[tilespmem:$0x19C00] =	vst v63  }
0x49: {  	_ = 	snop  }
0x4a: {  	[tilespmem:s6], [sflag:$0x1] =	stream.indirect_vreg.gather [hbm4b:s4+s3], $0x80, v3, vm0, $0xb8;
	[tilespmem:$0x19C00] =	vst v63  }
0x4b: {  	v3 =	vld [tilespmem:$0x40];
	_ =	sdelay $0x4  }
0x4c: {  	v36 =	vshrl.u32 v3, $0x3  }
0x4d: {  	v4 =	vmul.u32 $0x18, v36  }
0x4e: {  	v3 =	vand.u32 $0x7, v3  }
0x4f: {  	v3 =	vor.u32 v3, v4  }
0x50: {  	v4 =	vperm.xlane v3, v0;
	_ =	sdelay $0x1  }
0x51: {  	v3 =	vperm.xlane v3, v2;
	v4 =	vadd.s32 v1, v4;
	_ =	sdelay $0x1  }
0x52: {  	v3 =	vadd.s32 v1, v3;
	_ =	sdelay $0x2  }
0x53: {  	[tilespmem:s7], [sflag:$0x1] =	stream.indirect_vreg.gather [hbm4b:s4+s3], $0x80, v4, vm0, $0xb8;
	[tilespmem:$0x19C00] =	vst v63  }
0x54: {  	_ = 	snop  }
0x55: {  	[tilespmem:s8], [sflag:$0x1] =	stream.indirect_vreg.gather [hbm4b:s4+s3], $0x80, v3, vm0, $0xb8;
	[tilespmem:$0x19C00] =	vst v63  }
0x56: {  	v3 =	vld [tilespmem:$0x50];
	_ =	sdelay $0x4  }
0x57: {  	v37 =	vshrl.u32 v3, $0x3  }
0x58: {  	v4 =	vmul.u32 $0x18, v37  }
0x59: {  	v3 =	vand.u32 $0x7, v3  }
0x5a: {  	v3 =	vor.u32 v3, v4  }
0x5b: {  	v4 =	vperm.xlane v3, v0;
	_ =	sdelay $0x1  }
0x5c: {  	v3 =	vperm.xlane v3, v2;
	v4 =	vadd.s32 v1, v4;
	_ =	sdelay $0x1  }
0x5d: {  	v3 =	vadd.s32 v1, v3;
	_ =	sdelay $0x2  }
0x5e: {  	[tilespmem:s11], [sflag:$0x1] =	stream.indirect_vreg.gather [hbm4b:s4+s3], $0x80, v4, vm0, $0xb8;
	[tilespmem:$0x19C00] =	vst v63  }
0x5f: {  	_ = 	snop  }
0x60: {  	[tilespmem:s12], [sflag:$0x1] =	stream.indirect_vreg.gather [hbm4b:s4+s3], $0x80, v3, vm0, $0xb8;
	[tilespmem:$0x19C00] =	vst v63  }
0x61: {  	v3 =	vld [tilespmem:$0x60];
	_ =	sdelay $0x4  }
0x62: {  	v38 =	vshrl.u32 v3, $0x3  }
0x63: {  	v4 =	vmul.u32 $0x18, v38  }
0x64: {  	v3 =	vand.u32 $0x7, v3  }
0x65: {  	v3 =	vor.u32 v3, v4  }
0x66: {  	v4 =	vperm.xlane v3, v0;
	_ =	sdelay $0x1  }
0x67: {  	v3 =	vperm.xlane v3, v2;
	v4 =	vadd.s32 v1, v4;
	_ =	sdelay $0x1  }
0x68: {  	v3 =	vadd.s32 v1, v3;
	_ =	sdelay $0x2  }
0x69: {  	[tilespmem:s13], [sflag:$0x1] =	stream.indirect_vreg.gather [hbm4b:s4+s3], $0x80, v4, vm0, $0xb8;
	[tilespmem:$0x19C00] =	vst v63  }
0x6a: {  	_ = 	snop  }
0x6b: {  	[tilespmem:s14], [sflag:$0x1] =	stream.indirect_vreg.gather [hbm4b:s4+s3], $0x80, v3, vm0, $0xb8;
	[tilespmem:$0x19C00] =	vst v63  }
0x6c: {  	v3 =	vld [tilespmem:$0x70];
	_ =	sdelay $0x4  }
0x6d: {  	v39 =	vshrl.u32 v3, $0x3  }
0x6e: {  	v4 =	vmul.u32 $0x18, v39  }
0x6f: {  	v3 =	vand.u32 $0x7, v3  }
0x70: {  	v3 =	vor.u32 v3, v4  }
0x71: {  	v4 =	vperm.xlane v3, v0;
	_ =	sdelay $0x1  }
0x72: {  	v3 =	vperm.xlane v3, v2;
	v4 =	vadd.s32 v1, v4;
	_ =	sdelay $0x1  }
0x73: {  	v3 =	vadd.s32 v1, v3;
	_ =	sdelay $0x2  }
0x74: {  	[tilespmem:s15], [sflag:$0x1] =	stream.indirect_vreg.gather [hbm4b:s4+s3], $0x80, v4, vm0, $0xb8;
	[tilespmem:$0x19C00] =	vst v63  }
0x75: {  	_ = 	snop  }
0x76: {  	[tilespmem:s17], [sflag:$0x1] =	stream.indirect_vreg.gather [hbm4b:s4+s3], $0x80, v3, vm0, $0xb8;
	[tilespmem:$0x19C00] =	vst v63  }
0x77: {  	v3 =	vld [tilespmem:$0x0];
	_ =	sdelay $0x4  }
0x78: {  	v40 =	vperm.xlane v3, v0;
	_ =	sdelay $0x1  }
0x79: {  	v3 =	vperm.xlane v3, v2;
	v4 =	vadd.s32 v1, v40;
	_ =	sdelay $0x1  }
0x7a: {  	v3 =	vadd.s32 v1, v3;
	_ =	sdelay $0x2  }
0x7b: {  	[tilespmem:s18], [sflag:$0x1] =	stream.indirect_vreg.gather [hbm4b:s2+s3], $0x80, v4, vm1, $0xb8;
	[tilespmem:$0x19C00] =	vst v63  }
0x7c: {  	_ = 	snop  }
0x7d: {  	[tilespmem:s19], [sflag:$0x1] =	stream.indirect_vreg.gather [hbm4b:s2+s3], $0x80, v3, vm1, $0xb8;
	[tilespmem:$0x19C00] =	vst v63  }
0x7e: {  	v3 =	vld [tilespmem:$0x10];
	_ =	sdelay $0x4  }
0x7f: {  	v41 =	vperm.xlane v3, v0;
	_ =	sdelay $0x1  }
0x80: {  	v3 =	vperm.xlane v3, v2;
	v4 =	vadd.s32 v1, v41;
	_ =	sdelay $0x1  }
0x81: {  	v3 =	vadd.s32 v1, v3;
	_ =	sdelay $0x2  }
0x82: {  	[tilespmem:s20], [sflag:$0x1] =	stream.indirect_vreg.gather [hbm4b:s2+s3], $0x80, v4, vm1, $0xb8;
	[tilespmem:$0x19C00] =	vst v63  }
0x83: {  	_ = 	snop  }
0x84: {  	[tilespmem:s21], [sflag:$0x1] =	stream.indirect_vreg.gather [hbm4b:s2+s3], $0x80, v3, vm1, $0xb8;
	[tilespmem:$0x19C00] =	vst v63  }
0x85: {  	v3 =	vld [tilespmem:$0x20];
	_ =	sdelay $0x4  }
0x86: {  	v42 =	vperm.xlane v3, v0;
	_ =	sdelay $0x1  }
0x87: {  	v3 =	vperm.xlane v3, v2;
	v4 =	vadd.s32 v1, v42;
	_ =	sdelay $0x1  }
0x88: {  	v3 =	vadd.s32 v1, v3;
	_ =	sdelay $0x2  }
0x89: {  	[tilespmem:s22], [sflag:$0x1] =	stream.indirect_vreg.gather [hbm4b:s2+s3], $0x80, v4, vm1, $0xb8;
	[tilespmem:$0x19C00] =	vst v63  }
0x8a: {  	_ = 	snop  }
0x8b: {  	[tilespmem:s10], [sflag:$0x1] =	stream.indirect_vreg.gather [hbm4b:s2+s3], $0x80, v3, vm1, $0xb8;
	[tilespmem:$0x19C00] =	vst v63  }
0x8c: {  	v3 =	vld [tilespmem:$0x30];
	_ =	sdelay $0x4  }
0x8d: {  	v43 =	vperm.xlane v3, v0;
	_ =	sdelay $0x1  }
0x8e: {  	v3 =	vperm.xlane v3, v2;
	v4 =	vadd.s32 v1, v43;
	_ =	sdelay $0x1  }
0x8f: {  	v3 =	vadd.s32 v1, v3;
	_ =	sdelay $0x2  }
0x90: {  	[tilespmem:s31], [sflag:$0x1] =	stream.indirect_vreg.gather [hbm4b:s2+s3], $0x80, v4, vm1, $0xb8;
	[tilespmem:$0x19C00] =	vst v63  }
0x91: {  	s11 =	simm.s32 $0x7800  }
0x92: {  	[tilespmem:s11], [sflag:$0x1] =	stream.indirect_vreg.gather [hbm4b:s2+s3], $0x80, v3, vm1, $0xb8;
	[tilespmem:$0x19C00] =	vst v63  }
0x93: {  	v3 =	vld [tilespmem:$0x40];
	_ =	sdelay $0x4  }
0x94: {  	v44 =	vperm.xlane v3, v0;
	_ =	sdelay $0x1  }
0x95: {  	v3 =	vperm.xlane v3, v2;
	v4 =	vadd.s32 v1, v44;
	_ =	sdelay $0x1  }
0x96: {  	v3 =	vadd.s32 v1, v3;
	_ =	sdelay $0x1  }
0x97: {  	s12 =	simm.s32 $0x8400  }
0x98: {  	[tilespmem:s12], [sflag:$0x1] =	stream.indirect_vreg.gather [hbm4b:s2+s3], $0x80, v4, vm1, $0xb8;
	[tilespmem:$0x19C00] =	vst v63  }
0x99: {  	s13 =	simm.s32 $0x9000  }
0x9a: {  	[tilespmem:s13], [sflag:$0x1] =	stream.indirect_vreg.gather [hbm4b:s2+s3], $0x80, v3, vm1, $0xb8;
	[tilespmem:$0x19C00] =	vst v63  }
0x9b: {  	v3 =	vld [tilespmem:$0x50];
	_ =	sdelay $0x4  }
0x9c: {  	v45 =	vperm.xlane v3, v0;
	_ =	sdelay $0x1  }
0x9d: {  	v3 =	vperm.xlane v3, v2;
	v4 =	vadd.s32 v1, v45;
	_ =	sdelay $0x1  }
0x9e: {  	v3 =	vadd.s32 v1, v3;
	_ =	sdelay $0x1  }
0x9f: {  	s14 =	simm.s32 $0x9C00  }
0xa0: {  	[tilespmem:s14], [sflag:$0x1] =	stream.indirect_vreg.gather [hbm4b:s2+s3], $0x80, v4, vm1, $0xb8;
	[tilespmem:$0x19C00] =	vst v63  }
0xa1: {  	s15 =	simm.s32 $0xA800  }
0xa2: {  	[tilespmem:s15], [sflag:$0x1] =	stream.indirect_vreg.gather [hbm4b:s2+s3], $0x80, v3, vm1, $0xb8;
	[tilespmem:$0x19C00] =	vst v63  }
0xa3: {  	v3 =	vld [tilespmem:$0x60];
	_ =	sdelay $0x4  }
0xa4: {  	v46 =	vperm.xlane v3, v0;
	_ =	sdelay $0x1  }
0xa5: {  	v3 =	vperm.xlane v3, v2;
	v4 =	vadd.s32 v1, v46;
	_ =	sdelay $0x1  }
0xa6: {  	v3 =	vadd.s32 v1, v3;
	_ =	sdelay $0x1  }
0xa7: {  	s16 =	simm.s32 $0xB400  }
0xa8: {  	[tilespmem:s16], [sflag:$0x1] =	stream.indirect_vreg.gather [hbm4b:s2+s3], $0x80, v4, vm1, $0xb8;
	[tilespmem:$0x19C00] =	vst v63  }
0xa9: {  	s17 =	simm.s32 $0xC000  }
0xaa: {  	[tilespmem:s17], [sflag:$0x1] =	stream.indirect_vreg.gather [hbm4b:s2+s3], $0x80, v3, vm1, $0xb8;
	[tilespmem:$0x19C00] =	vst v63  }
0xab: {  	v3 =	vld [tilespmem:$0x70];
	_ =	sdelay $0x4  }
0xac: {  	v47 =	vperm.xlane v3, v0;
	_ =	sdelay $0x1  }
0xad: {  	v3 =	vperm.xlane v3, v2;
	v4 =	vadd.s32 v1, v47;
	_ =	sdelay $0x1  }
0xae: {  	v3 =	vadd.s32 v1, v3;
	_ =	sdelay $0x1  }
0xaf: {  	s18 =	simm.s32 $0xCC00  }
0xb0: {  	[tilespmem:s18], [sflag:$0x1] =	stream.indirect_vreg.gather [hbm4b:s2+s3], $0x80, v4, vm1, $0xb8;
	[tilespmem:$0x19C00] =	vst v63  }
0xb1: {  	s19 =	simm.s32 $0xD800  }
0xb2: {  	[tilespmem:s19], [sflag:$0x1] =	stream.indirect_vreg.gather [hbm4b:s2+s3], $0x80, v3, vm1, $0xb8;
	[tilespmem:$0x19C00] =	vst v63  }
0xb3: {  	v3 =	vld [tilespmem:$0x80];
	_ =	sdelay $0x4  }
0xb4: {  	v48 =	vshrl.u32 v3, $0x3  }
0xb5: {  	v4 =	vmul.u32 $0x18, v48  }
0xb6: {  	v3 =	vand.u32 $0x7, v3  }
0xb7: {  	v3 =	vor.u32 v3, v4  }
0xb8: {  	v4 =	vperm.xlane v3, v0;
	_ =	sdelay $0x1  }
0xb9: {  	v3 =	vperm.xlane v3, v2;
	v4 =	vadd.s32 v1, v4;
	_ =	sdelay $0x1  }
0xba: {  	v3 =	vadd.s32 v1, v3;
	_ =	sdelay $0x2  }
0xbb: {  	[tilespmem:s28], [sflag:$0x2] =	stream.indirect_vreg.gather [hbm4b:s4+s3], $0x80, v4, vm0, $0xb8;
	[tilespmem:$0x19C00] =	vst v63  }
0xbc: {  	s20 =	simm.s32 $0xE800  }
0xbd: {  	[tilespmem:s20], [sflag:$0x2] =	stream.indirect_vreg.gather [hbm4b:s4+s3], $0x80, v3, vm0, $0xb8;
	[tilespmem:$0x19C00] =	vst v63  }
0xbe: {  	v3 =	vld [tilespmem:$0x90];
	_ =	sdelay $0x4  }
0xbf: {  	v49 =	vshrl.u32 v3, $0x3  }
0xc0: {  	v4 =	vmul.u32 $0x18, v49  }
0xc1: {  	v3 =	vand.u32 $0x7, v3  }
0xc2: {  	v3 =	vor.u32 v3, v4  }
0xc3: {  	v4 =	vperm.xlane v3, v0;
	_ =	sdelay $0x1  }
0xc4: {  	v3 =	vperm.xlane v3, v2;
	v4 =	vadd.s32 v1, v4;
	_ =	sdelay $0x1  }
0xc5: {  	v3 =	vadd.s32 v1, v3;
	_ =	sdelay $0x1  }
0xc6: {  	s21 =	simm.s32 $0xF400  }
0xc7: {  	[tilespmem:s21], [sflag:$0x2] =	stream.indirect_vreg.gather [hbm4b:s4+s3], $0x80, v4, vm0, $0xb8;
	[tilespmem:$0x19C00] =	vst v63  }
0xc8: {  	s22 =	simm.s32 $0x10000  }
0xc9: {  	[tilespmem:s22], [sflag:$0x2] =	stream.indirect_vreg.gather [hbm4b:s4+s3], $0x80, v3, vm0, $0xb8;
	[tilespmem:$0x19C00] =	vst v63  }
0xca: {  	v3 =	vld [tilespmem:$0xA0];
	_ =	sdelay $0x4  }
0xcb: {  	v50 =	vshrl.u32 v3, $0x3  }
0xcc: {  	v4 =	vmul.u32 $0x18, v50  }
0xcd: {  	v3 =	vand.u32 $0x7, v3  }
0xce: {  	v3 =	vor.u32 v3, v4  }
0xcf: {  	v4 =	vperm.xlane v3, v0;
	_ =	sdelay $0x1  }
0xd0: {  	v3 =	vperm.xlane v3, v2;
	v4 =	vadd.s32 v1, v4;
	_ =	sdelay $0x1  }
0xd1: {  	v3 =	vadd.s32 v1, v3;
	_ =	sdelay $0x1  }
0xd2: {  	s25 =	simm.s32 $0x10C00  }
0xd3: {  	[tilespmem:s25], [sflag:$0x2] =	stream.indirect_vreg.gather [hbm4b:s4+s3], $0x80, v4, vm0, $0xb8;
	[tilespmem:$0x19C00] =	vst v63  }
0xd4: {  	s26 =	simm.s32 $0x11800  }
0xd5: {  	[tilespmem:s26], [sflag:$0x2] =	stream.indirect_vreg.gather [hbm4b:s4+s3], $0x80, v3, vm0, $0xb8;
	[tilespmem:$0x19C00] =	vst v63  }
0xd6: {  	v3 =	vld [tilespmem:$0xB0];
	_ =	sdelay $0x4  }
0xd7: {  	v51 =	vshrl.u32 v3, $0x3  }
0xd8: {  	v4 =	vmul.u32 $0x18, v51  }
0xd9: {  	v3 =	vand.u32 $0x7, v3  }
0xda: {  	v3 =	vor.u32 v3, v4  }
0xdb: {  	v4 =	vperm.xlane v3, v0;
	_ =	sdelay $0x1  }
0xdc: {  	v3 =	vperm.xlane v3, v2;
	v4 =	vadd.s32 v1, v4;
	_ =	sdelay $0x1  }
0xdd: {  	v3 =	vadd.s32 v1, v3;
	_ =	sdelay $0x1  }
0xde: {  	s28 =	simm.s32 $0x12400  }
0xdf: {  	[tilespmem:s28], [sflag:$0x2] =	stream.indirect_vreg.gather [hbm4b:s4+s3], $0x80, v4, vm0, $0xb8;
	[tilespmem:$0x19C00] =	vst v63  }
0xe0: {  	s31 =	simm.s32 $0x13000  }
0xe1: {  	[tilespmem:s31], [sflag:$0x2] =	stream.indirect_vreg.gather [hbm4b:s4+s3], $0x80, v3, vm0, $0xb8;
	[tilespmem:$0x19C00] =	vst v63  }
0xe2: {  	v3 =	vld [tilespmem:$0xC0];
	_ =	sdelay $0x4  }
0xe3: {  	v52 =	vshrl.u32 v3, $0x3  }
0xe4: {  	v4 =	vmul.u32 $0x18, v52  }
0xe5: {  	v3 =	vand.u32 $0x7, v3  }
0xe6: {  	v3 =	vor.u32 v3, v4  }
0xe7: {  	v4 =	vperm.xlane v3, v0;
	_ =	sdelay $0x1  }
0xe8: {  	v3 =	vperm.xlane v3, v2;
	v4 =	vadd.s32 v1, v4;
	_ =	sdelay $0x1  }
0xe9: {  	v3 =	vadd.s32 v1, v3;
	_ =	sdelay $0x1  }
0xea: {  	s1 =	simm.s32 $0x13C00  }
0xeb: {  	[tilespmem:s1], [sflag:$0x2] =	stream.indirect_vreg.gather [hbm4b:s4+s3], $0x80, v4, vm0, $0xb8;
	[tilespmem:$0x19C00] =	vst v63  }
0xec: {  	s5 =	simm.s32 $0x14800  }
0xed: {  	[tilespmem:s5], [sflag:$0x2] =	stream.indirect_vreg.gather [hbm4b:s4+s3], $0x80, v3, vm0, $0xb8;
	[tilespmem:$0x19C00] =	vst v63  }
0xee: {  	v3 =	vld [tilespmem:$0xD0];
	_ =	sdelay $0x4  }
0xef: {  	v53 =	vshrl.u32 v3, $0x3  }
0xf0: {  	v4 =	vmul.u32 $0x18, v53  }
0xf1: {  	v3 =	vand.u32 $0x7, v3  }
0xf2: {  	v3 =	vor.u32 v3, v4  }
0xf3: {  	v4 =	vperm.xlane v3, v0;
	_ =	sdelay $0x1  }
0xf4: {  	v3 =	vperm.xlane v3, v2;
	v4 =	vadd.s32 v1, v4;
	_ =	sdelay $0x1  }
0xf5: {  	v3 =	vadd.s32 v1, v3;
	_ =	sdelay $0x1  }
0xf6: {  	s6 =	simm.s32 $0x15400  }
0xf7: {  	[tilespmem:s6], [sflag:$0x2] =	stream.indirect_vreg.gather [hbm4b:s4+s3], $0x80, v4, vm0, $0xb8;
	[tilespmem:$0x19C00] =	vst v63  }
0xf8: {  	s7 =	simm.s32 $0x16000  }
0xf9: {  	[tilespmem:s7], [sflag:$0x2] =	stream.indirect_vreg.gather [hbm4b:s4+s3], $0x80, v3, vm0, $0xb8;
	[tilespmem:$0x19C00] =	vst v63  }
0xfa: {  	v3 =	vld [tilespmem:$0xE0];
	_ =	sdelay $0x4  }
0xfb: {  	v54 =	vshrl.u32 v3, $0x3  }
0xfc: {  	v4 =	vmul.u32 $0x18, v54  }
0xfd: {  	v3 =	vand.u32 $0x7, v3  }
0xfe: {  	v3 =	vor.u32 v3, v4  }
0xff: {  	v4 =	vperm.xlane v3, v0;
	_ =	sdelay $0x1  }
0x100: {  	v3 =	vperm.xlane v3, v2;
	v4 =	vadd.s32 v1, v4;
	_ =	sdelay $0x1  }
0x101: {  	v3 =	vadd.s32 v1, v3;
	_ =	sdelay $0x1  }
0x102: {  	s8 =	simm.s32 $0x16C00  }
0x103: {  	[tilespmem:s8], [sflag:$0x2] =	stream.indirect_vreg.gather [hbm4b:s4+s3], $0x80, v4, vm0, $0xb8;
	[tilespmem:$0x19C00] =	vst v63  }
0x104: {  	s10 =	simm.s32 $0x17800  }
0x105: {  	[tilespmem:s10], [sflag:$0x2] =	stream.indirect_vreg.gather [hbm4b:s4+s3], $0x80, v3, vm0, $0xb8;
	[tilespmem:$0x19C00] =	vst v63  }
0x106: {  	v3 =	vld [tilespmem:$0xF0];
	_ =	sdelay $0x4  }
0x107: {  	v55 =	vshrl.u32 v3, $0x3  }
0x108: {  	v4 =	vmul.u32 $0x18, v55  }
0x109: {  	v3 =	vand.u32 $0x7, v3  }
0x10a: {  	v3 =	vor.u32 v3, v4  }
0x10b: {  	v4 =	vperm.xlane v3, v0;
	_ =	sdelay $0x1  }
0x10c: {  	v3 =	vperm.xlane v3, v2;
	v4 =	vadd.s32 v1, v4;
	_ =	sdelay $0x1  }
0x10d: {  	v3 =	vadd.s32 v1, v3;
	_ =	sdelay $0x1  }
0x10e: {  	s11 =	simm.s32 $0x18400  }
0x10f: {  	[tilespmem:s11], [sflag:$0x2] =	stream.indirect_vreg.gather [hbm4b:s4+s3], $0x80, v4, vm0, $0xb8;
	[tilespmem:$0x19C00] =	vst v63  }
0x110: {  	s12 =	simm.s32 $0x19000  }
0x111: {  	[tilespmem:s12], [sflag:$0x2] =	stream.indirect_vreg.gather [hbm4b:s4+s3], $0x80, v3, vm0, $0xb8;
	[tilespmem:$0x19C00] =	vst v63  }
0x112: {  	v3 =	vld [tilespmem:$0x80];
	_ =	sdelay $0x4  }
0x113: {  	v56 =	vperm.xlane v3, v0;
	_ =	sdelay $0x1  }
0x114: {  	v3 =	vperm.xlane v3, v2;
	v4 =	vadd.s32 v1, v56;
	_ =	sdelay $0x1  }
0x115: {  	v3 =	vadd.s32 v1, v3;
	_ =	sdelay $0x1  }
0x116: {  	s13 =	simm.s32 $0xE400  }
0x117: {  	[tilespmem:s13], [sflag:$0x2] =	stream.indirect_vreg.gather [hbm4b:s2+s3], $0x80, v4, vm1, $0xb8;
	[tilespmem:$0x19C00] =	vst v63  }
0x118: {  	s14 =	simm.s32 $0xF000  }
0x119: {  	[tilespmem:s14], [sflag:$0x2] =	stream.indirect_vreg.gather [hbm4b:s2+s3], $0x80, v3, vm1, $0xb8;
	[tilespmem:$0x19C00] =	vst v63  }
0x11a: {  	v3 =	vld [tilespmem:$0x90];
	_ =	sdelay $0x4  }
0x11b: {  	v57 =	vperm.xlane v3, v0;
	_ =	sdelay $0x1  }
0x11c: {  	v3 =	vperm.xlane v3, v2;
	v4 =	vadd.s32 v1, v57;
	_ =	sdelay $0x1  }
0x11d: {  	v3 =	vadd.s32 v1, v3;
	_ =	sdelay $0x1  }
0x11e: {  	s15 =	simm.s32 $0xFC00  }
0x11f: {  	[tilespmem:s15], [sflag:$0x2] =	stream.indirect_vreg.gather [hbm4b:s2+s3], $0x80, v4, vm1, $0xb8;
	[tilespmem:$0x19C00] =	vst v63  }
0x120: {  	s16 =	simm.s32 $0x10800  }
0x121: {  	[tilespmem:s16], [sflag:$0x2] =	stream.indirect_vreg.gather [hbm4b:s2+s3], $0x80, v3, vm1, $0xb8;
	[tilespmem:$0x19C00] =	vst v63  }
0x122: {  	v3 =	vld [tilespmem:$0xA0];
	_ =	sdelay $0x4  }
0x123: {  	v58 =	vperm.xlane v3, v0;
	_ =	sdelay $0x1  }
0x124: {  	v3 =	vperm.xlane v3, v2;
	v4 =	vadd.s32 v1, v58;
	_ =	sdelay $0x1  }
0x125: {  	v3 =	vadd.s32 v1, v3;
	_ =	sdelay $0x1  }
0x126: {  	s17 =	simm.s32 $0x11400  }
0x127: {  	[tilespmem:s17], [sflag:$0x2] =	stream.indirect_vreg.gather [hbm4b:s2+s3], $0x80, v4, vm1, $0xb8;
	[tilespmem:$0x19C00] =	vst v63  }
0x128: {  	s18 =	simm.s32 $0x12000  }
0x129: {  	[tilespmem:s18], [sflag:$0x2] =	stream.indirect_vreg.gather [hbm4b:s2+s3], $0x80, v3, vm1, $0xb8;
	[tilespmem:$0x19C00] =	vst v63  }
0x12a: {  	v3 =	vld [tilespmem:$0xB0];
	_ =	sdelay $0x4  }
0x12b: {  	v59 =	vperm.xlane v3, v0;
	_ =	sdelay $0x1  }
0x12c: {  	v3 =	vperm.xlane v3, v2;
	v4 =	vadd.s32 v1, v59;
	_ =	sdelay $0x1  }
0x12d: {  	v3 =	vadd.s32 v1, v3;
	_ =	sdelay $0x1  }
0x12e: {  	s19 =	simm.s32 $0x12C00  }
0x12f: {  	[tilespmem:s19], [sflag:$0x2] =	stream.indirect_vreg.gather [hbm4b:s2+s3], $0x80, v4, vm1, $0xb8;
	[tilespmem:$0x19C00] =	vst v63  }
0x130: {  	s20 =	simm.s32 $0x13800  }
0x131: {  	[tilespmem:s20], [sflag:$0x2] =	stream.indirect_vreg.gather [hbm4b:s2+s3], $0x80, v3, vm1, $0xb8;
	[tilespmem:$0x19C00] =	vst v63  }
0x132: {  	v3 =	vld [tilespmem:$0xC0];
	_ =	sdelay $0x4  }
0x133: {  	v60 =	vperm.xlane v3, v0;
	_ =	sdelay $0x1  }
0x134: {  	v3 =	vperm.xlane v3, v2;
	v4 =	vadd.s32 v1, v60;
	_ =	sdelay $0x1  }
0x135: {  	v3 =	vadd.s32 v1, v3;
	_ =	sdelay $0x1  }
0x136: {  	s21 =	simm.s32 $0x14400  }
0x137: {  	[tilespmem:s21], [sflag:$0x2] =	stream.indirect_vreg.gather [hbm4b:s2+s3], $0x80, v4, vm1, $0xb8;
	[tilespmem:$0x19C00] =	vst v63  }
0x138: {  	s22 =	simm.s32 $0x15000  }
0x139: {  	[tilespmem:s22], [sflag:$0x2] =	stream.indirect_vreg.gather [hbm4b:s2+s3], $0x80, v3, vm1, $0xb8;
	[tilespmem:$0x19C00] =	vst v63  }
0x13a: {  	v3 =	vld [tilespmem:$0xD0];
	_ =	sdelay $0x4  }
0x13b: {  	v61 =	vperm.xlane v3, v0;
	_ =	sdelay $0x1  }
0x13c: {  	v3 =	vperm.xlane v3, v2;
	v4 =	vadd.s32 v1, v61;
	_ =	sdelay $0x1  }
0x13d: {  	v3 =	vadd.s32 v1, v3;
	_ =	sdelay $0x1  }
0x13e: {  	s25 =	simm.s32 $0x15C00  }
0x13f: {  	[tilespmem:s25], [sflag:$0x2] =	stream.indirect_vreg.gather [hbm4b:s2+s3], $0x80, v4, vm1, $0xb8;
	[tilespmem:$0x19C00] =	vst v63  }
0x140: {  	s26 =	simm.s32 $0x16800  }
0x141: {  	[tilespmem:s26], [sflag:$0x2] =	stream.indirect_vreg.gather [hbm4b:s2+s3], $0x80, v3, vm1, $0xb8;
	[tilespmem:$0x19C00] =	vst v63  }
0x142: {  	v3 =	vld [tilespmem:$0xE0];
	_ =	sdelay $0x4  }
0x143: {  	v62 =	vperm.xlane v3, v0;
	_ =	sdelay $0x1  }
0x144: {  	v3 =	vperm.xlane v3, v2;
	v4 =	vadd.s32 v1, v62;
	_ =	sdelay $0x1  }
0x145: {  	v3 =	vadd.s32 v1, v3;
	_ =	sdelay $0x1  }
0x146: {  	s28 =	simm.s32 $0x17400  }
0x147: {  	[tilespmem:s28], [sflag:$0x2] =	stream.indirect_vreg.gather [hbm4b:s2+s3], $0x80, v4, vm1, $0xb8;
	[tilespmem:$0x19C00] =	vst v63  }
0x148: {  	s31 =	simm.s32 $0x18000  }
0x149: {  	[tilespmem:s31], [sflag:$0x2] =	stream.indirect_vreg.gather [hbm4b:s2+s3], $0x80, v3, vm1, $0xb8;
	[tilespmem:$0x19C00] =	vst v63  }
0x14a: {  	v3 =	vld [tilespmem:$0xF0];
	_ =	sdelay $0x4  }
0x14b: {  	v63 =	vperm.xlane v3, v0  }
0x14c: {  	s30 =	simm.s32 $0x19800;
	s29 =	simm.s32 $0x7800;
	s0 =	simm.s32 $0x18C00  }
0x14d: {  	s5 =	simm.s32 $0x6400;
	s6 =	simm.s32 $0x7000;
	s7 =	simm.s32 $0x7C00;
	v3 =	vperm.xlane v3, v2;
	v4 =	vadd.s32 v1, v63  }
0x14e: {  	s8 =	simm.s32 $0x8800;
	s10 =	simm.s32 $0x6000;
	s11 =	simm.s32 $0x9400  }
0x14f: {  	s12 =	simm.s32 $0xA000;
	s13 =	simm.s32 $0xAC00;
	s14 =	simm.s32 $0xB800;
	v3 =	vadd.s32 v1, v3  }
0x150: {  	s15 =	simm.s32 $0xC400;
	s17 =	simm.s32 $0xD000;
	s18 =	simm.s32 $0x2400  }
0x151: {  	s19 =	simm.s32 $0x3000;
	s20 =	simm.s32 $0x3C00;
	s21 =	simm.s32 $0x4800  }
0x152: {  	[tilespmem:s0], [sflag:$0x2] =	stream.indirect_vreg.gather [hbm4b:s2+s3], $0x80, v4, vm1, $0xb8;
	[tilespmem:$0x19C00] =	vst v63  }
0x153: {  	s22 =	simm.s32 $0x5400;
	s25 =	simm.s32 $0x1F0;
	s26 =	simm.s32 $0x0  }
0x154: {  	[tilespmem:s30], [sflag:$0x2] =	stream.indirect_vreg.gather [hbm4b:s2+s3], $0x80, v3, vm1, $0xb8;
	[tilespmem:$0x19C00] =	vst v63  }
.LBB2_2:
0x155: {  	_ =	swait.ge [sflag:s23], $0x8000  }
0x156: {  	[sflag:s23] =	ssyncset.done $0x0  }
0x157: {  	[sflag:s23] =	ssyncadd.s32 $0xFFFF8000  }
0x158: {  	_ =	swait.ge [sflag:s23], $0x4000  }
0x159: {  	s28 =	rddreg [dreg:$0x5];
	[sflag:s23] =	ssyncset.done $0x0  }
0x15a: {  	s31 =	simm.s32 $0x1C00;
	[sflag:s23] =	ssyncadd.s32 $0xFFFFC000;
	s28 =	sadd.s32 s26, s28  }
0x15b: {  	[hbm4b:s28+s3] =	stream.linear.scatter [tilespmem:s31], [sflag:$0x3], $0xC000, $0x38;
	[tilespmem:$0x19C00] =	vst v63  }
0x15c: {  	_ =	swait.ge [sflag:s9], $0xC000  }
0x15d: {  	[sflag:s9] =	ssyncset.done $0x0  }
0x15e: {  	[sflag:s9] =	ssyncadd.s32 $0xFFFF4000  }
0x15f: {  	v3 =	vld [tilespmem:s25+$0xFFFFFF10];
	_ =	sdelay $0x4  }
0x160: {  	v4 =	vshrl.u32 v3, $0x3  }
0x161: {  	v4 =	vmul.u32 $0x18, v4  }
0x162: {  	v3 =	vand.u32 $0x7, v3  }
0x163: {  	v3 =	vor.u32 v3, v4  }
0x164: {  	v4 =	vperm.xlane v3, v0;
	_ =	sdelay $0x1  }
0x165: {  	v3 =	vperm.xlane v3, v2;
	v4 =	vadd.s32 v1, v4;
	_ =	sdelay $0x1  }
0x166: {  	v3 =	vadd.s32 v1, v3;
	_ =	sdelay $0x2  }
0x167: {  	[tilespmem:s31], [sflag:$0x1] =	stream.indirect_vreg.gather [hbm4b:s4+s3], $0x80, v4, vm0, $0xb8;
	[tilespmem:$0x19C00] =	vst v63  }
0x168: {  	s1 =	simm.s32 $0x2800  }
0x169: {  	[tilespmem:s1], [sflag:$0x1] =	stream.indirect_vreg.gather [hbm4b:s4+s3], $0x80, v3, vm0, $0xb8;
	[tilespmem:$0x19C00] =	vst v63  }
0x16a: {  	v3 =	vld [tilespmem:s25+$0xFFFFFF20];
	_ =	sdelay $0x4  }
0x16b: {  	v33 =	vshrl.u32 v3, $0x3  }
0x16c: {  	v4 =	vmul.u32 $0x18, v33  }
0x16d: {  	v3 =	vand.u32 $0x7, v3  }
0x16e: {  	v3 =	vor.u32 v3, v4  }
0x16f: {  	v4 =	vperm.xlane v3, v0;
	_ =	sdelay $0x1  }
0x170: {  	v3 =	vperm.xlane v3, v2;
	v4 =	vadd.s32 v1, v4;
	_ =	sdelay $0x1  }
0x171: {  	v3 =	vadd.s32 v1, v3;
	_ =	sdelay $0x1  }
0x172: {  	s1 =	simm.s32 $0x3400  }
0x173: {  	[tilespmem:s1], [sflag:$0x1] =	stream.indirect_vreg.gather [hbm4b:s4+s3], $0x80, v4, vm0, $0xb8;
	[tilespmem:$0x19C00] =	vst v63  }
0x174: {  	s1 =	simm.s32 $0x4000  }
0x175: {  	[tilespmem:s1], [sflag:$0x1] =	stream.indirect_vreg.gather [hbm4b:s4+s3], $0x80, v3, vm0, $0xb8;
	[tilespmem:$0x19C00] =	vst v63  }
0x176: {  	v3 =	vld [tilespmem:s25+$0xFFFFFF30];
	_ =	sdelay $0x4  }
0x177: {  	v34 =	vshrl.u32 v3, $0x3  }
0x178: {  	v4 =	vmul.u32 $0x18, v34  }
0x179: {  	v3 =	vand.u32 $0x7, v3  }
0x17a: {  	v3 =	vor.u32 v3, v4  }
0x17b: {  	v4 =	vperm.xlane v3, v0;
	_ =	sdelay $0x1  }
0x17c: {  	v3 =	vperm.xlane v3, v2;
	v4 =	vadd.s32 v1, v4;
	_ =	sdelay $0x1  }
0x17d: {  	v3 =	vadd.s32 v1, v3;
	_ =	sdelay $0x1  }
0x17e: {  	s1 =	simm.s32 $0x4C00  }
0x17f: {  	[tilespmem:s1], [sflag:$0x1] =	stream.indirect_vreg.gather [hbm4b:s4+s3], $0x80, v4, vm0, $0xb8;
	[tilespmem:$0x19C00] =	vst v63  }
0x180: {  	s1 =	simm.s32 $0x5800  }
0x181: {  	[tilespmem:s1], [sflag:$0x1] =	stream.indirect_vreg.gather [hbm4b:s4+s3], $0x80, v3, vm0, $0xb8;
	[tilespmem:$0x19C00] =	vst v63  }
0x182: {  	v3 =	vld [tilespmem:s25+$0xFFFFFF40];
	_ =	sdelay $0x4  }
0x183: {  	v35 =	vshrl.u32 v3, $0x3  }
0x184: {  	v4 =	vmul.u32 $0x18, v35  }
0x185: {  	v3 =	vand.u32 $0x7, v3  }
0x186: {  	v3 =	vor.u32 v3, v4  }
0x187: {  	v4 =	vperm.xlane v3, v0;
	_ =	sdelay $0x1  }
0x188: {  	v3 =	vperm.xlane v3, v2;
	v4 =	vadd.s32 v1, v4;
	_ =	sdelay $0x1  }
0x189: {  	v3 =	vadd.s32 v1, v3;
	_ =	sdelay $0x2  }
0x18a: {  	[tilespmem:s5], [sflag:$0x1] =	stream.indirect_vreg.gather [hbm4b:s4+s3], $0x80, v4, vm0, $0xb8;
	[tilespmem:$0x19C00] =	vst v63  }
0x18b: {  	_ = 	snop  }
0x18c: {  	[tilespmem:s6], [sflag:$0x1] =	stream.indirect_vreg.gather [hbm4b:s4+s3], $0x80, v3, vm0, $0xb8;
	[tilespmem:$0x19C00] =	vst v63  }
0x18d: {  	v3 =	vld [tilespmem:s25+$0xFFFFFF50];
	_ =	sdelay $0x4  }
0x18e: {  	v36 =	vshrl.u32 v3, $0x3  }
0x18f: {  	v4 =	vmul.u32 $0x18, v36  }
0x190: {  	v3 =	vand.u32 $0x7, v3  }
0x191: {  	v3 =	vor.u32 v3, v4  }
0x192: {  	v4 =	vperm.xlane v3, v0;
	_ =	sdelay $0x1  }
0x193: {  	v3 =	vperm.xlane v3, v2;
	v4 =	vadd.s32 v1, v4;
	_ =	sdelay $0x1  }
0x194: {  	v3 =	vadd.s32 v1, v3;
	_ =	sdelay $0x2  }
0x195: {  	[tilespmem:s7], [sflag:$0x1] =	stream.indirect_vreg.gather [hbm4b:s4+s3], $0x80, v4, vm0, $0xb8;
	[tilespmem:$0x19C00] =	vst v63  }
0x196: {  	_ = 	snop  }
0x197: {  	[tilespmem:s8], [sflag:$0x1] =	stream.indirect_vreg.gather [hbm4b:s4+s3], $0x80, v3, vm0, $0xb8;
	[tilespmem:$0x19C00] =	vst v63  }
0x198: {  	v3 =	vld [tilespmem:s25+$0xFFFFFF60];
	_ =	sdelay $0x4  }
0x199: {  	v37 =	vshrl.u32 v3, $0x3  }
0x19a: {  	v4 =	vmul.u32 $0x18, v37  }
0x19b: {  	v3 =	vand.u32 $0x7, v3  }
0x19c: {  	v3 =	vor.u32 v3, v4  }
0x19d: {  	v4 =	vperm.xlane v3, v0;
	_ =	sdelay $0x1  }
0x19e: {  	v3 =	vperm.xlane v3, v2;
	v4 =	vadd.s32 v1, v4;
	_ =	sdelay $0x1  }
0x19f: {  	v3 =	vadd.s32 v1, v3;
	_ =	sdelay $0x2  }
0x1a0: {  	[tilespmem:s11], [sflag:$0x1] =	stream.indirect_vreg.gather [hbm4b:s4+s3], $0x80, v4, vm0, $0xb8;
	[tilespmem:$0x19C00] =	vst v63  }
0x1a1: {  	_ = 	snop  }
0x1a2: {  	[tilespmem:s12], [sflag:$0x1] =	stream.indirect_vreg.gather [hbm4b:s4+s3], $0x80, v3, vm0, $0xb8;
	[tilespmem:$0x19C00] =	vst v63  }
0x1a3: {  	v3 =	vld [tilespmem:s25+$0xFFFFFF70];
	_ =	sdelay $0x4  }
0x1a4: {  	v38 =	vshrl.u32 v3, $0x3  }
0x1a5: {  	v4 =	vmul.u32 $0x18, v38  }
0x1a6: {  	v3 =	vand.u32 $0x7, v3  }
0x1a7: {  	v3 =	vor.u32 v3, v4  }
0x1a8: {  	v4 =	vperm.xlane v3, v0;
	_ =	sdelay $0x1  }
0x1a9: {  	v3 =	vperm.xlane v3, v2;
	v4 =	vadd.s32 v1, v4;
	_ =	sdelay $0x1  }
0x1aa: {  	v3 =	vadd.s32 v1, v3;
	_ =	sdelay $0x2  }
0x1ab: {  	[tilespmem:s13], [sflag:$0x1] =	stream.indirect_vreg.gather [hbm4b:s4+s3], $0x80, v4, vm0, $0xb8;
	[tilespmem:$0x19C00] =	vst v63  }
0x1ac: {  	_ = 	snop  }
0x1ad: {  	[tilespmem:s14], [sflag:$0x1] =	stream.indirect_vreg.gather [hbm4b:s4+s3], $0x80, v3, vm0, $0xb8;
	[tilespmem:$0x19C00] =	vst v63  }
0x1ae: {  	v3 =	vld [tilespmem:s25+$0xFFFFFF80];
	_ =	sdelay $0x4  }
0x1af: {  	v39 =	vshrl.u32 v3, $0x3  }
0x1b0: {  	v4 =	vmul.u32 $0x18, v39  }
0x1b1: {  	v3 =	vand.u32 $0x7, v3  }
0x1b2: {  	v3 =	vor.u32 v3, v4  }
0x1b3: {  	v4 =	vperm.xlane v3, v0;
	_ =	sdelay $0x1  }
0x1b4: {  	v3 =	vperm.xlane v3, v2;
	v4 =	vadd.s32 v1, v4;
	_ =	sdelay $0x1  }
0x1b5: {  	v3 =	vadd.s32 v1, v3;
	_ =	sdelay $0x2  }
0x1b6: {  	[tilespmem:s15], [sflag:$0x1] =	stream.indirect_vreg.gather [hbm4b:s4+s3], $0x80, v4, vm0, $0xb8;
	[tilespmem:$0x19C00] =	vst v63  }
0x1b7: {  	_ = 	snop  }
0x1b8: {  	[tilespmem:s17], [sflag:$0x1] =	stream.indirect_vreg.gather [hbm4b:s4+s3], $0x80, v3, vm0, $0xb8;
	[tilespmem:$0x19C00] =	vst v63  }
0x1b9: {  	v3 =	vld [tilespmem:s25+$0xFFFFFF10];
	_ =	sdelay $0x4  }
0x1ba: {  	v40 =	vperm.xlane v3, v0;
	_ =	sdelay $0x1  }
0x1bb: {  	v3 =	vperm.xlane v3, v2;
	v4 =	vadd.s32 v1, v40;
	_ =	sdelay $0x1  }
0x1bc: {  	v3 =	vadd.s32 v1, v3;
	_ =	sdelay $0x2  }
0x1bd: {  	[tilespmem:s18], [sflag:$0x1] =	stream.indirect_vreg.gather [hbm4b:s2+s3], $0x80, v4, vm1, $0xb8;
	[tilespmem:$0x19C00] =	vst v63  }
0x1be: {  	_ = 	snop  }
0x1bf: {  	[tilespmem:s19], [sflag:$0x1] =	stream.indirect_vreg.gather [hbm4b:s2+s3], $0x80, v3, vm1, $0xb8;
	[tilespmem:$0x19C00] =	vst v63  }
0x1c0: {  	v3 =	vld [tilespmem:s25+$0xFFFFFF20];
	_ =	sdelay $0x4  }
0x1c1: {  	v41 =	vperm.xlane v3, v0;
	_ =	sdelay $0x1  }
0x1c2: {  	v3 =	vperm.xlane v3, v2;
	v4 =	vadd.s32 v1, v41;
	_ =	sdelay $0x1  }
0x1c3: {  	v3 =	vadd.s32 v1, v3;
	_ =	sdelay $0x2  }
0x1c4: {  	[tilespmem:s20], [sflag:$0x1] =	stream.indirect_vreg.gather [hbm4b:s2+s3], $0x80, v4, vm1, $0xb8;
	[tilespmem:$0x19C00] =	vst v63  }
0x1c5: {  	_ = 	snop  }
0x1c6: {  	[tilespmem:s21], [sflag:$0x1] =	stream.indirect_vreg.gather [hbm4b:s2+s3], $0x80, v3, vm1, $0xb8;
	[tilespmem:$0x19C00] =	vst v63  }
0x1c7: {  	v3 =	vld [tilespmem:s25+$0xFFFFFF30];
	_ =	sdelay $0x4  }
0x1c8: {  	v42 =	vperm.xlane v3, v0;
	_ =	sdelay $0x1  }
0x1c9: {  	v3 =	vperm.xlane v3, v2;
	v4 =	vadd.s32 v1, v42;
	_ =	sdelay $0x1  }
0x1ca: {  	v3 =	vadd.s32 v1, v3;
	_ =	sdelay $0x2  }
0x1cb: {  	[tilespmem:s22], [sflag:$0x1] =	stream.indirect_vreg.gather [hbm4b:s2+s3], $0x80, v4, vm1, $0xb8;
	[tilespmem:$0x19C00] =	vst v63  }
0x1cc: {  	_ = 	snop  }
0x1cd: {  	[tilespmem:s10], [sflag:$0x1] =	stream.indirect_vreg.gather [hbm4b:s2+s3], $0x80, v3, vm1, $0xb8;
	[tilespmem:$0x19C00] =	vst v63  }
0x1ce: {  	v3 =	vld [tilespmem:s25+$0xFFFFFF40];
	_ =	sdelay $0x4  }
0x1cf: {  	v43 =	vperm.xlane v3, v0;
	_ =	sdelay $0x1  }
0x1d0: {  	v3 =	vperm.xlane v3, v2;
	v4 =	vadd.s32 v1, v43;
	_ =	sdelay $0x1  }
0x1d1: {  	v3 =	vadd.s32 v1, v3;
	_ =	sdelay $0x1  }
0x1d2: {  	s31 =	simm.s32 $0x6C00  }
0x1d3: {  	[tilespmem:s31], [sflag:$0x1] =	stream.indirect_vreg.gather [hbm4b:s2+s3], $0x80, v4, vm1, $0xb8;
	[tilespmem:$0x19C00] =	vst v63  }
0x1d4: {  	_ = 	snop  }
0x1d5: {  	[tilespmem:s29], [sflag:$0x1] =	stream.indirect_vreg.gather [hbm4b:s2+s3], $0x80, v3, vm1, $0xb8;
	[tilespmem:$0x19C00] =	vst v63  }
0x1d6: {  	v3 =	vld [tilespmem:s25+$0xFFFFFF50];
	_ =	sdelay $0x4  }
0x1d7: {  	v44 =	vperm.xlane v3, v0;
	_ =	sdelay $0x1  }
0x1d8: {  	v3 =	vperm.xlane v3, v2;
	v4 =	vadd.s32 v1, v44;
	_ =	sdelay $0x1  }
0x1d9: {  	v3 =	vadd.s32 v1, v3;
	_ =	sdelay $0x1  }
0x1da: {  	s1 =	simm.s32 $0x8400  }
0x1db: {  	[tilespmem:s1], [sflag:$0x1] =	stream.indirect_vreg.gather [hbm4b:s2+s3], $0x80, v4, vm1, $0xb8;
	[tilespmem:$0x19C00] =	vst v63  }
0x1dc: {  	s1 =	simm.s32 $0x9000  }
0x1dd: {  	[tilespmem:s1], [sflag:$0x1] =	stream.indirect_vreg.gather [hbm4b:s2+s3], $0x80, v3, vm1, $0xb8;
	[tilespmem:$0x19C00] =	vst v63  }
0x1de: {  	v3 =	vld [tilespmem:s25+$0xFFFFFF60];
	_ =	sdelay $0x4  }
0x1df: {  	v45 =	vperm.xlane v3, v0;
	_ =	sdelay $0x1  }
0x1e0: {  	v3 =	vperm.xlane v3, v2;
	v4 =	vadd.s32 v1, v45;
	_ =	sdelay $0x1  }
0x1e1: {  	v3 =	vadd.s32 v1, v3;
	_ =	sdelay $0x1  }
0x1e2: {  	s1 =	simm.s32 $0x9C00  }
0x1e3: {  	[tilespmem:s1], [sflag:$0x1] =	stream.indirect_vreg.gather [hbm4b:s2+s3], $0x80, v4, vm1, $0xb8;
	[tilespmem:$0x19C00] =	vst v63  }
0x1e4: {  	s1 =	simm.s32 $0xA800  }
0x1e5: {  	[tilespmem:s1], [sflag:$0x1] =	stream.indirect_vreg.gather [hbm4b:s2+s3], $0x80, v3, vm1, $0xb8;
	[tilespmem:$0x19C00] =	vst v63  }
0x1e6: {  	v3 =	vld [tilespmem:s25+$0xFFFFFF70];
	_ =	sdelay $0x4  }
0x1e7: {  	v46 =	vperm.xlane v3, v0;
	_ =	sdelay $0x1  }
0x1e8: {  	v3 =	vperm.xlane v3, v2;
	v4 =	vadd.s32 v1, v46;
	_ =	sdelay $0x1  }
0x1e9: {  	v3 =	vadd.s32 v1, v3;
	_ =	sdelay $0x1  }
0x1ea: {  	s1 =	simm.s32 $0xB400  }
0x1eb: {  	[tilespmem:s1], [sflag:$0x1] =	stream.indirect_vreg.gather [hbm4b:s2+s3], $0x80, v4, vm1, $0xb8;
	[tilespmem:$0x19C00] =	vst v63  }
0x1ec: {  	s1 =	simm.s32 $0xC000  }
0x1ed: {  	[tilespmem:s1], [sflag:$0x1] =	stream.indirect_vreg.gather [hbm4b:s2+s3], $0x80, v3, vm1, $0xb8;
	[tilespmem:$0x19C00] =	vst v63  }
0x1ee: {  	v3 =	vld [tilespmem:s25+$0xFFFFFF80];
	_ =	sdelay $0x4  }
0x1ef: {  	v47 =	vperm.xlane v3, v0;
	_ =	sdelay $0x1  }
0x1f0: {  	v3 =	vperm.xlane v3, v2;
	v4 =	vadd.s32 v1, v47;
	_ =	sdelay $0x1  }
0x1f1: {  	v3 =	vadd.s32 v1, v3;
	_ =	sdelay $0x1  }
0x1f2: {  	s1 =	simm.s32 $0xCC00  }
0x1f3: {  	[tilespmem:s1], [sflag:$0x1] =	stream.indirect_vreg.gather [hbm4b:s2+s3], $0x80, v4, vm1, $0xb8;
	[tilespmem:$0x19C00] =	vst v63  }
0x1f4: {  	s1 =	simm.s32 $0xD800  }
0x1f5: {  	[tilespmem:s1], [sflag:$0x1] =	stream.indirect_vreg.gather [hbm4b:s2+s3], $0x80, v3, vm1, $0xb8;
	[tilespmem:$0x19C00] =	vst v63  }
0x1f6: {  	_ =	swait.ge [sflag:s24], $0x8000  }
0x1f7: {  	[sflag:s24] =	ssyncset.done $0x0  }
0x1f8: {  	[sflag:s24] =	ssyncadd.s32 $0xFFFF8000  }
0x1f9: {  	_ =	swait.ge [sflag:s24], $0x4000  }
0x1fa: {  	s28 =	rddreg [dreg:$0x6];
	[sflag:s24] =	ssyncset.done $0x0  }
0x1fb: {  	s1 =	simm.s32 $0xDC00;
	[sflag:s24] =	ssyncadd.s32 $0xFFFFC000;
	s28 =	sadd.s32 s26, s28  }
0x1fc: {  	[hbm4b:s28+s3] =	stream.linear.scatter [tilespmem:s1], [sflag:$0x3], $0xC000, $0x38;
	[tilespmem:$0x19C00] =	vst v63  }
0x1fd: {  	_ =	swait.ge [sflag:s9], $0xC000  }
0x1fe: {  	[sflag:s9] =	ssyncset.done $0x0  }
0x1ff: {  	[sflag:s9] =	ssyncadd.s32 $0xFFFF4000  }
0x200: {  	v3 =	vld [tilespmem:s25+$0xFFFFFF90];
	_ =	sdelay $0x4  }
0x201: {  	v48 =	vshrl.u32 v3, $0x3  }
0x202: {  	v4 =	vmul.u32 $0x18, v48  }
0x203: {  	v3 =	vand.u32 $0x7, v3  }
0x204: {  	v3 =	vor.u32 v3, v4  }
0x205: {  	v4 =	vperm.xlane v3, v0;
	_ =	sdelay $0x1  }
0x206: {  	v3 =	vperm.xlane v3, v2;
	v4 =	vadd.s32 v1, v4;
	_ =	sdelay $0x1  }
0x207: {  	v3 =	vadd.s32 v1, v3;
	_ =	sdelay $0x2  }
0x208: {  	[tilespmem:s1], [sflag:$0x2] =	stream.indirect_vreg.gather [hbm4b:s4+s3], $0x80, v4, vm0, $0xb8;
	[tilespmem:$0x19C00] =	vst v63  }
0x209: {  	s1 =	simm.s32 $0xE800  }
0x20a: {  	[tilespmem:s1], [sflag:$0x2] =	stream.indirect_vreg.gather [hbm4b:s4+s3], $0x80, v3, vm0, $0xb8;
	[tilespmem:$0x19C00] =	vst v63  }
0x20b: {  	v3 =	vld [tilespmem:s25+$0xFFFFFFA0];
	_ =	sdelay $0x4  }
0x20c: {  	v49 =	vshrl.u32 v3, $0x3  }
0x20d: {  	v4 =	vmul.u32 $0x18, v49  }
0x20e: {  	v3 =	vand.u32 $0x7, v3  }
0x20f: {  	v3 =	vor.u32 v3, v4  }
0x210: {  	v4 =	vperm.xlane v3, v0;
	_ =	sdelay $0x1  }
0x211: {  	v3 =	vperm.xlane v3, v2;
	v4 =	vadd.s32 v1, v4;
	_ =	sdelay $0x1  }
0x212: {  	v3 =	vadd.s32 v1, v3;
	_ =	sdelay $0x1  }
0x213: {  	s1 =	simm.s32 $0xF400  }
0x214: {  	[tilespmem:s1], [sflag:$0x2] =	stream.indirect_vreg.gather [hbm4b:s4+s3], $0x80, v4, vm0, $0xb8;
	[tilespmem:$0x19C00] =	vst v63  }
0x215: {  	s1 =	simm.s32 $0x10000  }
0x216: {  	[tilespmem:s1], [sflag:$0x2] =	stream.indirect_vreg.gather [hbm4b:s4+s3], $0x80, v3, vm0, $0xb8;
	[tilespmem:$0x19C00] =	vst v63  }
0x217: {  	v3 =	vld [tilespmem:s25+$0xFFFFFFB0];
	_ =	sdelay $0x4  }
0x218: {  	v50 =	vshrl.u32 v3, $0x3  }
0x219: {  	v4 =	vmul.u32 $0x18, v50  }
0x21a: {  	v3 =	vand.u32 $0x7, v3  }
0x21b: {  	v3 =	vor.u32 v3, v4  }
0x21c: {  	v4 =	vperm.xlane v3, v0;
	_ =	sdelay $0x1  }
0x21d: {  	v3 =	vperm.xlane v3, v2;
	v4 =	vadd.s32 v1, v4;
	_ =	sdelay $0x1  }
0x21e: {  	v3 =	vadd.s32 v1, v3;
	_ =	sdelay $0x1  }
0x21f: {  	s1 =	simm.s32 $0x10C00  }
0x220: {  	[tilespmem:s1], [sflag:$0x2] =	stream.indirect_vreg.gather [hbm4b:s4+s3], $0x80, v4, vm0, $0xb8;
	[tilespmem:$0x19C00] =	vst v63  }
0x221: {  	s1 =	simm.s32 $0x11800  }
0x222: {  	[tilespmem:s1], [sflag:$0x2] =	stream.indirect_vreg.gather [hbm4b:s4+s3], $0x80, v3, vm0, $0xb8;
	[tilespmem:$0x19C00] =	vst v63  }
0x223: {  	v3 =	vld [tilespmem:s25+$0xFFFFFFC0];
	_ =	sdelay $0x4  }
0x224: {  	v51 =	vshrl.u32 v3, $0x3  }
0x225: {  	v4 =	vmul.u32 $0x18, v51  }
0x226: {  	v3 =	vand.u32 $0x7, v3  }
0x227: {  	v3 =	vor.u32 v3, v4  }
0x228: {  	v4 =	vperm.xlane v3, v0;
	_ =	sdelay $0x1  }
0x229: {  	v3 =	vperm.xlane v3, v2;
	v4 =	vadd.s32 v1, v4;
	_ =	sdelay $0x1  }
0x22a: {  	v3 =	vadd.s32 v1, v3;
	_ =	sdelay $0x1  }
0x22b: {  	s1 =	simm.s32 $0x12400  }
0x22c: {  	[tilespmem:s1], [sflag:$0x2] =	stream.indirect_vreg.gather [hbm4b:s4+s3], $0x80, v4, vm0, $0xb8;
	[tilespmem:$0x19C00] =	vst v63  }
0x22d: {  	s1 =	simm.s32 $0x13000  }
0x22e: {  	[tilespmem:s1], [sflag:$0x2] =	stream.indirect_vreg.gather [hbm4b:s4+s3], $0x80, v3, vm0, $0xb8;
	[tilespmem:$0x19C00] =	vst v63  }
0x22f: {  	v3 =	vld [tilespmem:s25+$0xFFFFFFD0];
	_ =	sdelay $0x4  }
0x230: {  	v52 =	vshrl.u32 v3, $0x3  }
0x231: {  	v4 =	vmul.u32 $0x18, v52  }
0x232: {  	v3 =	vand.u32 $0x7, v3  }
0x233: {  	v3 =	vor.u32 v3, v4  }
0x234: {  	v4 =	vperm.xlane v3, v0;
	_ =	sdelay $0x1  }
0x235: {  	v3 =	vperm.xlane v3, v2;
	v4 =	vadd.s32 v1, v4;
	_ =	sdelay $0x1  }
0x236: {  	v3 =	vadd.s32 v1, v3;
	_ =	sdelay $0x1  }
0x237: {  	s1 =	simm.s32 $0x13C00  }
0x238: {  	[tilespmem:s1], [sflag:$0x2] =	stream.indirect_vreg.gather [hbm4b:s4+s3], $0x80, v4, vm0, $0xb8;
	[tilespmem:$0x19C00] =	vst v63  }
0x239: {  	s1 =	simm.s32 $0x14800  }
0x23a: {  	[tilespmem:s1], [sflag:$0x2] =	stream.indirect_vreg.gather [hbm4b:s4+s3], $0x80, v3, vm0, $0xb8;
	[tilespmem:$0x19C00] =	vst v63  }
0x23b: {  	v3 =	vld [tilespmem:s25+$0xFFFFFFE0];
	_ =	sdelay $0x4  }
0x23c: {  	v53 =	vshrl.u32 v3, $0x3  }
0x23d: {  	v4 =	vmul.u32 $0x18, v53  }
0x23e: {  	v3 =	vand.u32 $0x7, v3  }
0x23f: {  	v3 =	vor.u32 v3, v4  }
0x240: {  	v4 =	vperm.xlane v3, v0;
	_ =	sdelay $0x1  }
0x241: {  	v3 =	vperm.xlane v3, v2;
	v4 =	vadd.s32 v1, v4;
	_ =	sdelay $0x1  }
0x242: {  	v3 =	vadd.s32 v1, v3;
	_ =	sdelay $0x1  }
0x243: {  	s1 =	simm.s32 $0x15400  }
0x244: {  	[tilespmem:s1], [sflag:$0x2] =	stream.indirect_vreg.gather [hbm4b:s4+s3], $0x80, v4, vm0, $0xb8;
	[tilespmem:$0x19C00] =	vst v63  }
0x245: {  	s1 =	simm.s32 $0x16000  }
0x246: {  	[tilespmem:s1], [sflag:$0x2] =	stream.indirect_vreg.gather [hbm4b:s4+s3], $0x80, v3, vm0, $0xb8;
	[tilespmem:$0x19C00] =	vst v63  }
0x247: {  	v3 =	vld [tilespmem:s25+$0xFFFFFFF0];
	_ =	sdelay $0x4  }
0x248: {  	v54 =	vshrl.u32 v3, $0x3  }
0x249: {  	v4 =	vmul.u32 $0x18, v54  }
0x24a: {  	v3 =	vand.u32 $0x7, v3  }
0x24b: {  	v3 =	vor.u32 v3, v4  }
0x24c: {  	v4 =	vperm.xlane v3, v0;
	_ =	sdelay $0x1  }
0x24d: {  	v3 =	vperm.xlane v3, v2;
	v4 =	vadd.s32 v1, v4;
	_ =	sdelay $0x1  }
0x24e: {  	v3 =	vadd.s32 v1, v3;
	_ =	sdelay $0x1  }
0x24f: {  	s1 =	simm.s32 $0x16C00  }
0x250: {  	[tilespmem:s1], [sflag:$0x2] =	stream.indirect_vreg.gather [hbm4b:s4+s3], $0x80, v4, vm0, $0xb8;
	[tilespmem:$0x19C00] =	vst v63  }
0x251: {  	s1 =	simm.s32 $0x17800  }
0x252: {  	[tilespmem:s1], [sflag:$0x2] =	stream.indirect_vreg.gather [hbm4b:s4+s3], $0x80, v3, vm0, $0xb8;
	[tilespmem:$0x19C00] =	vst v63  }
0x253: {  	v3 =	vld [tilespmem:s25+$0x0];
	_ =	sdelay $0x4  }
0x254: {  	v55 =	vshrl.u32 v3, $0x3  }
0x255: {  	v4 =	vmul.u32 $0x18, v55  }
0x256: {  	v3 =	vand.u32 $0x7, v3  }
0x257: {  	v3 =	vor.u32 v3, v4  }
0x258: {  	v4 =	vperm.xlane v3, v0;
	_ =	sdelay $0x1  }
0x259: {  	v3 =	vperm.xlane v3, v2;
	v4 =	vadd.s32 v1, v4;
	_ =	sdelay $0x1  }
0x25a: {  	v3 =	vadd.s32 v1, v3;
	_ =	sdelay $0x1  }
0x25b: {  	s1 =	simm.s32 $0x18400  }
0x25c: {  	[tilespmem:s1], [sflag:$0x2] =	stream.indirect_vreg.gather [hbm4b:s4+s3], $0x80, v4, vm0, $0xb8;
	[tilespmem:$0x19C00] =	vst v63  }
0x25d: {  	s1 =	simm.s32 $0x19000  }
0x25e: {  	[tilespmem:s1], [sflag:$0x2] =	stream.indirect_vreg.gather [hbm4b:s4+s3], $0x80, v3, vm0, $0xb8;
	[tilespmem:$0x19C00] =	vst v63  }
0x25f: {  	v3 =	vld [tilespmem:s25+$0xFFFFFF90];
	_ =	sdelay $0x4  }
0x260: {  	v56 =	vperm.xlane v3, v0;
	_ =	sdelay $0x1  }
0x261: {  	v3 =	vperm.xlane v3, v2;
	v4 =	vadd.s32 v1, v56;
	_ =	sdelay $0x1  }
0x262: {  	v3 =	vadd.s32 v1, v3;
	_ =	sdelay $0x1  }
0x263: {  	s1 =	simm.s32 $0xE400  }
0x264: {  	[tilespmem:s1], [sflag:$0x2] =	stream.indirect_vreg.gather [hbm4b:s2+s3], $0x80, v4, vm1, $0xb8;
	[tilespmem:$0x19C00] =	vst v63  }
0x265: {  	s1 =	simm.s32 $0xF000  }
0x266: {  	[tilespmem:s1], [sflag:$0x2] =	stream.indirect_vreg.gather [hbm4b:s2+s3], $0x80, v3, vm1, $0xb8;
	[tilespmem:$0x19C00] =	vst v63  }
0x267: {  	v3 =	vld [tilespmem:s25+$0xFFFFFFA0];
	_ =	sdelay $0x4  }
0x268: {  	v57 =	vperm.xlane v3, v0;
	_ =	sdelay $0x1  }
0x269: {  	v3 =	vperm.xlane v3, v2;
	v4 =	vadd.s32 v1, v57;
	_ =	sdelay $0x1  }
0x26a: {  	v3 =	vadd.s32 v1, v3;
	_ =	sdelay $0x1  }
0x26b: {  	s1 =	simm.s32 $0xFC00  }
0x26c: {  	[tilespmem:s1], [sflag:$0x2] =	stream.indirect_vreg.gather [hbm4b:s2+s3], $0x80, v4, vm1, $0xb8;
	[tilespmem:$0x19C00] =	vst v63  }
0x26d: {  	s1 =	simm.s32 $0x10800  }
0x26e: {  	[tilespmem:s1], [sflag:$0x2] =	stream.indirect_vreg.gather [hbm4b:s2+s3], $0x80, v3, vm1, $0xb8;
	[tilespmem:$0x19C00] =	vst v63  }
0x26f: {  	v3 =	vld [tilespmem:s25+$0xFFFFFFB0];
	_ =	sdelay $0x4  }
0x270: {  	v58 =	vperm.xlane v3, v0;
	_ =	sdelay $0x1  }
0x271: {  	v3 =	vperm.xlane v3, v2;
	v4 =	vadd.s32 v1, v58;
	_ =	sdelay $0x1  }
0x272: {  	v3 =	vadd.s32 v1, v3;
	_ =	sdelay $0x1  }
0x273: {  	s1 =	simm.s32 $0x11400  }
0x274: {  	[tilespmem:s1], [sflag:$0x2] =	stream.indirect_vreg.gather [hbm4b:s2+s3], $0x80, v4, vm1, $0xb8;
	[tilespmem:$0x19C00] =	vst v63  }
0x275: {  	s1 =	simm.s32 $0x12000  }
0x276: {  	[tilespmem:s1], [sflag:$0x2] =	stream.indirect_vreg.gather [hbm4b:s2+s3], $0x80, v3, vm1, $0xb8;
	[tilespmem:$0x19C00] =	vst v63  }
0x277: {  	v3 =	vld [tilespmem:s25+$0xFFFFFFC0];
	_ =	sdelay $0x4  }
0x278: {  	v59 =	vperm.xlane v3, v0;
	_ =	sdelay $0x1  }
0x279: {  	v3 =	vperm.xlane v3, v2;
	v4 =	vadd.s32 v1, v59;
	_ =	sdelay $0x1  }
0x27a: {  	v3 =	vadd.s32 v1, v3;
	_ =	sdelay $0x1  }
0x27b: {  	s1 =	simm.s32 $0x12C00  }
0x27c: {  	[tilespmem:s1], [sflag:$0x2] =	stream.indirect_vreg.gather [hbm4b:s2+s3], $0x80, v4, vm1, $0xb8;
	[tilespmem:$0x19C00] =	vst v63  }
0x27d: {  	s1 =	simm.s32 $0x13800  }
0x27e: {  	[tilespmem:s1], [sflag:$0x2] =	stream.indirect_vreg.gather [hbm4b:s2+s3], $0x80, v3, vm1, $0xb8;
	[tilespmem:$0x19C00] =	vst v63  }
0x27f: {  	v3 =	vld [tilespmem:s25+$0xFFFFFFD0];
	_ =	sdelay $0x4  }
0x280: {  	v60 =	vperm.xlane v3, v0;
	_ =	sdelay $0x1  }
0x281: {  	v3 =	vperm.xlane v3, v2;
	v4 =	vadd.s32 v1, v60;
	_ =	sdelay $0x1  }
0x282: {  	v3 =	vadd.s32 v1, v3;
	_ =	sdelay $0x1  }
0x283: {  	s1 =	simm.s32 $0x14400  }
0x284: {  	[tilespmem:s1], [sflag:$0x2] =	stream.indirect_vreg.gather [hbm4b:s2+s3], $0x80, v4, vm1, $0xb8;
	[tilespmem:$0x19C00] =	vst v63  }
0x285: {  	s1 =	simm.s32 $0x15000  }
0x286: {  	[tilespmem:s1], [sflag:$0x2] =	stream.indirect_vreg.gather [hbm4b:s2+s3], $0x80, v3, vm1, $0xb8;
	[tilespmem:$0x19C00] =	vst v63  }
0x287: {  	v3 =	vld [tilespmem:s25+$0xFFFFFFE0];
	_ =	sdelay $0x4  }
0x288: {  	v61 =	vperm.xlane v3, v0;
	_ =	sdelay $0x1  }
0x289: {  	v3 =	vperm.xlane v3, v2;
	v4 =	vadd.s32 v1, v61;
	_ =	sdelay $0x1  }
0x28a: {  	v3 =	vadd.s32 v1, v3;
	_ =	sdelay $0x1  }
0x28b: {  	s1 =	simm.s32 $0x15C00  }
0x28c: {  	[tilespmem:s1], [sflag:$0x2] =	stream.indirect_vreg.gather [hbm4b:s2+s3], $0x80, v4, vm1, $0xb8;
	[tilespmem:$0x19C00] =	vst v63  }
0x28d: {  	s1 =	simm.s32 $0x16800  }
0x28e: {  	[tilespmem:s1], [sflag:$0x2] =	stream.indirect_vreg.gather [hbm4b:s2+s3], $0x80, v3, vm1, $0xb8;
	[tilespmem:$0x19C00] =	vst v63  }
0x28f: {  	v3 =	vld [tilespmem:s25+$0xFFFFFFF0];
	_ =	sdelay $0x4  }
0x290: {  	v62 =	vperm.xlane v3, v0;
	_ =	sdelay $0x1  }
0x291: {  	v3 =	vperm.xlane v3, v2;
	v4 =	vadd.s32 v1, v62;
	_ =	sdelay $0x1  }
0x292: {  	v3 =	vadd.s32 v1, v3;
	_ =	sdelay $0x1  }
0x293: {  	s1 =	simm.s32 $0x17400  }
0x294: {  	[tilespmem:s1], [sflag:$0x2] =	stream.indirect_vreg.gather [hbm4b:s2+s3], $0x80, v4, vm1, $0xb8;
	[tilespmem:$0x19C00] =	vst v63  }
0x295: {  	s1 =	simm.s32 $0x18000  }
0x296: {  	[tilespmem:s1], [sflag:$0x2] =	stream.indirect_vreg.gather [hbm4b:s2+s3], $0x80, v3, vm1, $0xb8;
	[tilespmem:$0x19C00] =	vst v63  }
0x297: {  	v3 =	vld [tilespmem:s25+$0x0];
	_ =	sdelay $0x4  }
0x298: {  	v63 =	vperm.xlane v3, v0;
	_ =	sdelay $0x1  }
0x299: {  	v3 =	vperm.xlane v3, v2;
	v4 =	vadd.s32 v1, v63;
	_ =	sdelay $0x1  }
0x29a: {  	p0 =	sne.s32 s26, $0x4E000;
	v3 =	vadd.s32 v1, v3  }
.Ltmp0:
0x29b: {  	_ = 	snop;
	(pc) =	sbr.rel @p0 .LBB2_2-.Ltmp0, $4  }
0x29c: {  	s16 =	simm.s32 $0x1C00  }
0x29d: {  	[tilespmem:s0], [sflag:$0x2] =	stream.indirect_vreg.gather [hbm4b:s2+s3], $0x80, v4, vm1, $0xb8;
	[tilespmem:$0x19C00] =	vst v63  }
0x29e: {  	s26 =	sadd.s32 $0x3000, s26;
	s28 =	simm.s32 $0xDC00;
	s25 =	sadd.s32 $0x100, s25  }
0x29f: {  	[tilespmem:s30], [sflag:$0x2] =	stream.indirect_vreg.gather [hbm4b:s2+s3], $0x80, v3, vm1, $0xb8;
	[tilespmem:$0x19C00] =	vst v63  }
0x2a0: {  	_ =	swait.ge [sflag:s23], $0x8000  }
0x2a1: {  	[sflag:s23] =	ssyncset.done $0x0  }
0x2a2: {  	[sflag:s23] =	ssyncadd.s32 $0xFFFF8000  }
0x2a3: {  	_ =	swait.ge [sflag:s23], $0x4000  }
0x2a4: {  	[sflag:s23] =	ssyncset.done $0x0  }
0x2a5: {  	s25 =	rddreg [dreg:$0x8];
	[sflag:s23] =	ssyncadd.s32 $0xFFFFC000  }
0x2a6: {  	[hbm4b:s25+s3] =	stream.linear.scatter [tilespmem:s16], [sflag:$0x3], $0xC000, $0x38;
	[tilespmem:$0x19C00] =	vst v63  }
0x2a7: {  	_ =	swait.ge [sflag:s9], $0xC000  }
0x2a8: {  	[sflag:s9] =	ssyncset.done $0x0  }
0x2a9: {  	[sflag:s9] =	ssyncadd.s32 $0xFFFF4000  }
0x2aa: {  	_ =	swait.ge [sflag:s24], $0x8000  }
0x2ab: {  	[sflag:s24] =	ssyncset.done $0x0  }
0x2ac: {  	[sflag:s24] =	ssyncadd.s32 $0xFFFF8000  }
0x2ad: {  	_ =	swait.ge [sflag:s24], $0x4000  }
0x2ae: {  	s30 =	simm.s32 $0x3400;
	s29 =	simm.s32 $0x4000;
	[sflag:s24] =	ssyncset.done $0x0  }
0x2af: {  	s1 =	simm.s32 $0x4C00;
	s22 =	rddreg [dreg:$0x9];
	[sflag:s24] =	ssyncadd.s32 $0xFFFFC000  }
0x2b0: {  	[hbm4b:s22+s3] =	stream.linear.scatter [tilespmem:s28], [sflag:$0x3], $0xC000, $0x38;
	[tilespmem:$0x19C00] =	vst v63  }
0x2b1: {  	s5 =	simm.s32 $0x6400;
	s6 =	simm.s32 $0x7000;
	_ =	swait.ge [sflag:s9], $0xC000  }
0x2b2: {  	s7 =	simm.s32 $0x7C00;
	s8 =	simm.s32 $0x8800;
	s0 =	rddreg [dreg:$0xb]  }
0x2b3: {  	s11 =	simm.s32 $0x9400;
	s26 =	rddreg [dreg:$0xa];
	s0 =	sadd.s32 $0x1, s0  }
0x2b4: {  	s12 =	simm.s32 $0xA000;
	s13 =	simm.s32 $0xAC00;
	p0 =	sne.s32 s0, s26  }
.Ltmp1:
0x2b5: {  	s14 =	simm.s32 $0xB800;
	s15 =	simm.s32 $0xC400;
	(pc) =	sbr.rel @p0 .LBB2_1-.Ltmp1, $4  }
0x2b6: {  	s17 =	simm.s32 $0xD000;
	s18 =	simm.s32 $0x2400;
	s19 =	simm.s32 $0x3000  }
0x2b7: {  	s20 =	simm.s32 $0x3C00;
	s21 =	simm.s32 $0x4800;
	[sflag:s9] =	ssyncset.done $0x0  }
0x2b8: {  	s10 =	simm.s32 $0x6000;
	s22 =	simm.s32 $0x5400;
	[sflag:s9] =	ssyncadd.s32 $0xFFFF4000  }
0x2b9: {  	[dreg:$0xb] =	wrdreg s0;
	s26 =	simm.s32 $0x2800;
	s0 =	simm.s32 $0x5800  }
0x2ba: {  	_ =	sfence.sel $0x180000  }
0x2bb: {  	[bflag:$0x0] =	sbarrier.arrive $0xFFFF  }
0x2bc: {  	_ =	strace $0x90000047  }
0x2bd: {  	s0 =	stileid.u32;
	[bflag:$0x2] =	sbarrier.arrive $0xFFFF  }
0x2be: {  	p0 =	sne.s32 s0, $0x0;
	s0 =	rddreg [dreg:$0x4]  }
0x2bf: {  	s0 =	sadd.s32 @!p0 $0x100000, s0  }
0x2c0: {  	[sflag:s0] =	ssyncadd.tile.s32 @!p0 $0x1;
	_ =	shalt  }
.Lfunc_end2:
_tile_overlayer_lowered:
.L_overlay_start_2:
0x2c1: {  	(tag) =	ssettag $0x2  }
0x2c2: {  	s0 =	rddreg [dreg:$0x0];
	s2 =	stileid.u32  }
0x2c3: {  	s1 =	rddreg [dreg:$0x1];
	p0 =	sne.s32 s2, $0x0  }
0x2c4: {  	s3 =	rddreg [dreg:$0x2];
	[bflag:$0x3] =	sbarrier.arrive $0xFFFF;
	s2 =	simm.s32 @!p0 $0x1C03  }
0x2c5: {  	[timem:s3], [sflag:s2] =	dma.local @!p0 [hbm:s0], s1  }
0x2c6: {  	s0 =	simm.s32 @!p0 $0x3  }
0x2c7: {  	_ =	swait.ge @!p0 [sflag:s0], s1  }
0x2c8: {  	s1 =	ssub.s32 @!p0 $0x0, s1;
	[sflag:s0] =	ssyncset.done @!p0 $0x0  }
0x2c9: {  	[sflag:s0] =	ssyncadd.s32 @!p0 s1  }
0x2ca: {  	[bflag:$0x3] =	sbarrier.arrive $0xFFFF  }
0x2cb: {  	_ =	shalt  }

</sc_bundles>
